<compile_context>
chip_gen: v7x
topology: tpu7x:2x2x1
jax: 0.10.2.dev20260603
libtpu: 0.0.44.dev20260713+nightly
codegen_flags: <defaults>
</compile_context>

<pallas_src>
import functools

import jax
import jax.numpy as jnp
from jax import lax
from jax.experimental import pallas as pl
from jax.experimental.pallas import tpu as pltpu
from jax.experimental.pallas import tpu_sc as plsc

NUM_FIELDS = 26
FIELD_SIZE = 40000
EMBED = 16
NC, NS, L = 2, 16, 16
NW = NC * NS

WTILES = 313
TASKS = NUM_FIELDS * EMBED
TASKS_PER_W = TASKS // NW


def kernel(x, table):
    B, F = x.shape
    V, D = table.shape
    tile_rows = V * D // 1024
    vtiles = V // 128

    tab2d = (
        table.T.reshape(2, 8, vtiles, 128)
        .transpose(0, 2, 1, 3)
        .reshape(tile_rows, 1024)
    )
    xT = x.T

    grid_rows = B // 128

    mesh = plsc.VectorSubcoreMesh(
        core_axis_name="c", subcore_axis_name="s",
        num_cores=NC, num_subcores=NS,
    )

    @functools.partial(
        pl.kernel,
        out_type=jax.ShapeDtypeStruct((F * 2 * grid_rows, 1024), jnp.float32),
        mesh=mesh,
        scratch_types=[
            pltpu.VMEM((2, WTILES, 128), jnp.float32),
            pltpu.VMEM((B,), jnp.int32),
            pltpu.VMEM((2, grid_rows, 128), jnp.float32),
            pltpu.SemaphoreType.DMA,
            pltpu.SemaphoreType.DMA,
            pltpu.SemaphoreType.DMA,
            pltpu.SemaphoreType.DMA,
        ],
        compiler_params=pltpu.CompilerParams(
            use_tc_tiling_on_sc=False, needs_layout_passes=False),
    )
    def body(x_hbm, tab_hbm, out_hbm, stage_v, idx_v, out_v,
             ssem0, ssem1, osem0, osem1):
        wid = lax.axis_index("s") * NC + lax.axis_index("c")
        t0 = wid * TASKS_PER_W

        def params(t):
            f = t // EMBED
            e = t % EMBED
            tr = e // 8
            r = e % 8
            srow = tr * vtiles + 312 * f + f // 2
            return f, tr, r, srow

        def stage_copy(t, buf, sem):
            f, tr, r, srow = params(t)
            return pltpu.make_async_copy(
                tab_hbm.at[pl.ds(srow, WTILES), pl.ds(r * 128, 128)],
                stage_v.at[buf], sem)

        def out_copy(t, buf, sem):
            f, tr, r, srow = params(t)
            return pltpu.make_async_copy(
                out_v.at[buf],
                out_hbm.at[pl.ds((f * 2 + tr) * grid_rows, grid_rows),
                           pl.ds(r * 128, 128)],
                sem)

        f0 = t0 // EMBED
        pltpu.sync_copy(x_hbm.at[f0], idx_v)
        stage_copy(t0, 0, ssem0).start()

        def step(k, fprev):
            t = t0 + k
            f, tr, r, srow = params(t)
            buf = k % 2

            @pl.when(k + 1 < TASKS_PER_W)
            def _():
                @pl.when((k + 1) % 2 == 0)
                def _():
                    stage_copy(t + 1, 0, ssem0).start()

                @pl.when((k + 1) % 2 == 1)
                def _():
                    stage_copy(t + 1, 1, ssem1).start()

            @pl.when(f != fprev)
            def _():
                pltpu.sync_copy(x_hbm.at[f], idx_v)

            @pl.when(buf == 0)
            def _():
                stage_copy(t, 0, ssem0).wait()

            @pl.when(buf == 1)
            def _():
                stage_copy(t, 1, ssem1).wait()

            @pl.when(k >= 2)
            def _():
                @pl.when(buf == 0)
                def _():
                    out_copy(t, 0, osem0).wait()

                @pl.when(buf == 1)
                def _():
                    out_copy(t, 1, osem1).wait()

            woff = (f % 2) * 64

            @plsc.parallel_loop(0, B // L, unroll=16)
            def gather16(i):
                w = idx_v[pl.ds(i * L, L)] + woff
                vals = plsc.load_gather(
                    stage_v.at[buf], [w >> 7, w & 127])
                out_v[buf, i // 8, pl.ds((i % 8) * L, L)] = vals

            @pl.when(buf == 0)
            def _():
                out_copy(t, 0, osem0).start()

            @pl.when(buf == 1)
            def _():
                out_copy(t, 1, osem1).start()

            return f
        lax.fori_loop(0, TASKS_PER_W, step, f0)

        t_last = t0 + TASKS_PER_W - 1
        out_copy(t_last - 1, (TASKS_PER_W - 2) % 2,
                 osem0 if (TASKS_PER_W - 2) % 2 == 0 else osem1).wait()
        out_copy(t_last, (TASKS_PER_W - 1) % 2,
                 osem0 if (TASKS_PER_W - 1) % 2 == 0 else osem1).wait()

    out2d = body(xT, tab2d)
    out = (
        out2d.reshape(F, 2, grid_rows, 8, 128)
        .transpose(2, 4, 0, 1, 3)
        .reshape(B, F, D)
    )
    return out

# --- scband reference (transcript-rebuilt; emitter-appended) ---
"""Pipeline reference for scband-features-embedding-13597866459328 (READ-ONLY COPY).

The authoritative reference and input builder live on the scoring server;
editing this copy changes nothing except your own understanding.
"""

import jax, jax.numpy as jnp
import numpy as np

FIELD_DIMS = [40000] * 26
EMBED_DIM = 16
BATCH = 16384
TOTAL_VOCAB = sum(FIELD_DIMS)


def setup_inputs(seed: int = 0) -> dict:
    key = jax.random.key(seed)
    k1, k2 = jax.random.split(key)
    x = jax.random.randint(k1, (BATCH, len(FIELD_DIMS)), 0, 40000, dtype=jnp.int32)
    # xavier_uniform for Embedding(sum(field_dims), embed_dim)
    fan_in, fan_out = TOTAL_VOCAB, EMBED_DIM
    limit = float(np.sqrt(6.0 / (fan_in + fan_out)))
    table = jax.random.uniform(k2, (TOTAL_VOCAB, EMBED_DIM), dtype=jnp.float32, minval=-limit, maxval=limit)
    return {"x": x, "table": table}


def reference(x, table):
    offsets = jnp.asarray(np.array((0, *np.cumsum(FIELD_DIMS)[:-1]), dtype=np.int32))
    idx = x + offsets[None, :]
    return jnp.take(table, idx, axis=0)

if __name__ == "__main__":
    import jax
    _d = setup_inputs()
    print(jax.jit(kernel)(*tuple(_d.values())))

</pallas_src>

<mosaic_0001>
#map = affine_map<(d0, d1) -> (0, 0)>
module attributes {stable_mosaic.version = 14 : i64} {
  func.func @body(%arg0: i32, %arg1: i32, %arg2: memref<26x16384xi32, #tpu.memory_space<hbm>>, %arg3: memref<16250x1024xf32, #tpu.memory_space<hbm>>, %arg4: memref<6656x1024xf32, #tpu.memory_space<hbm>>, %arg5: memref<2x313x128xf32, #tpu.memory_space<vmem>>, %arg6: memref<16384xi32, #tpu.memory_space<vmem>>, %arg7: memref<2x128x128xf32, #tpu.memory_space<vmem>>, %arg8: memref<!tpu.dma_semaphore, #tpu.memory_space<semaphore_mem>>, %arg9: memref<!tpu.dma_semaphore, #tpu.memory_space<semaphore_mem>>, %arg10: memref<!tpu.dma_semaphore, #tpu.memory_space<semaphore_mem>>, %arg11: memref<!tpu.dma_semaphore, #tpu.memory_space<semaphore_mem>>) attributes {dimension_semantics = [#tpu.dimension_semantics<core_parallel>, #tpu.dimension_semantics<subcore_parallel>], iteration_bounds = array<i64: 2, 16>, scalar_prefetch = 0 : i64, scratch_operands = 7 : i64, tpu.core_type = #tpu.core_type<sc_vector_subcore>, window_params = [{transform_indices = #map}, {transform_indices = #map}, {transform_indices = #map}]} {
    %mul3A = arith.constant 2 : i32
    %mul3A_0 = arith.muli %arg1, %mul3A : i32
    %add3A = arith.addi %mul3A_0, %arg0 : i32
    %mul3A_1 = arith.constant 13 : i32
    %mul3A_2 = arith.muli %add3A, %mul3A_1 : i32
    %jit3A = arith.constant 16 : i32
    %div3A = arith.divsi %mul3A_2, %jit3A : i32
    %sign3A = arith.constant 0 : i32
    %sign3A_3 = arith.cmpi sgt, %mul3A_2, %sign3A : i32
    %sign3A_4 = arith.extui %sign3A_3 : i1 to i32
    %sign3A_5 = arith.constant 0 : i32
    %sign3A_6 = arith.cmpi slt, %mul3A_2, %sign3A_5 : i32
    %sign3A_7 = arith.extui %sign3A_6 : i1 to i32
    %sign3A_8 = arith.subi %sign3A_4, %sign3A_7 : i32
    %sign3A_9 = arith.constant 0 : i32
    %sign3A_10 = arith.cmpi sgt, %jit3A, %sign3A_9 : i32
    %sign3A_11 = arith.extui %sign3A_10 : i1 to i32
    %sign3A_12 = arith.constant 0 : i32
    %sign3A_13 = arith.cmpi slt, %jit3A, %sign3A_12 : i32
    %sign3A_14 = arith.extui %sign3A_13 : i1 to i32
    %sign3A_15 = arith.subi %sign3A_11, %sign3A_14 : i32
    %ne3A = arith.cmpi ne, %sign3A_8, %sign3A_15 : i32
    %rem3A = arith.remsi %mul3A_2, %jit3A : i32
    %ne3A_16 = arith.constant 0 : i32
    %ne3A_17 = arith.cmpi ne, %rem3A, %ne3A_16 : i32
    %and3A = arith.andi %ne3A, %ne3A_17 : i1
    %sub3A = arith.constant 1 : i32
    %sub3A_18 = arith.subi %div3A, %sub3A : i32
    %select_n3A = arith.select %and3A, %sub3A_18, %div3A : i32
    "tpu.region"() ({
      %run_scoped3A = tpu.sem_alloc : memref<!tpu.dma_semaphore, #tpu.memory_space<semaphore_mem>>
      %dma_start3A_405 = arith.constant 0 : i32
      %dma_start3A_406 = tpu.memref_slice %arg2[%select_n3A, %dma_start3A_405] : memref<26x16384xi32, #tpu.memory_space<hbm>> -> memref<1x16384xi32, #tpu.memory_space<hbm>>
      %dma_start3A_407 = tpu.memref_squeeze %dma_start3A_406 : memref<1x16384xi32, #tpu.memory_space<hbm>> -> memref<16384xi32, #tpu.memory_space<hbm>>
      %dma_start3A_408 = arith.constant 0 : i32
      %dma_start3A_409 = tpu.memref_slice %arg2[%select_n3A, %dma_start3A_408] : memref<26x16384xi32, #tpu.memory_space<hbm>> -> memref<1x16384xi32, #tpu.memory_space<hbm>>
      %dma_start3A_410 = tpu.memref_squeeze %dma_start3A_409 : memref<1x16384xi32, #tpu.memory_space<hbm>> -> memref<16384xi32, #tpu.memory_space<hbm>>
      tpu.enqueue_dma source(%dma_start3A_410 : memref<16384xi32, #tpu.memory_space<hbm>>) target(%arg6 : memref<16384xi32, #tpu.memory_space<vmem>>) target_semaphore(%run_scoped3A : memref<!tpu.dma_semaphore, #tpu.memory_space<semaphore_mem>>)
      %dma_wait3A_411 = arith.constant 0 : i32
      %dma_wait3A_412 = tpu.memref_slice %arg2[%select_n3A, %dma_wait3A_411] : memref<26x16384xi32, #tpu.memory_space<hbm>> -> memref<1x16384xi32, #tpu.memory_space<hbm>>
      %dma_wait3A_413 = tpu.memref_squeeze %dma_wait3A_412 : memref<1x16384xi32, #tpu.memory_space<hbm>> -> memref<16384xi32, #tpu.memory_space<hbm>>
      %dma_wait3A_414 = arith.constant 0 : i32
      %dma_wait3A_415 = tpu.memref_slice %arg2[%select_n3A, %dma_wait3A_414] : memref<26x16384xi32, #tpu.memory_space<hbm>> -> memref<1x16384xi32, #tpu.memory_space<hbm>>
      %dma_wait3A_416 = tpu.memref_squeeze %dma_wait3A_415 : memref<1x16384xi32, #tpu.memory_space<hbm>> -> memref<16384xi32, #tpu.memory_space<hbm>>
      tpu.wait_dma2 semaphore(%run_scoped3A : memref<!tpu.dma_semaphore, #tpu.memory_space<semaphore_mem>>) src(%dma_wait3A_416 : memref<16384xi32, #tpu.memory_space<hbm>>) dst(%arg6 : memref<16384xi32, #tpu.memory_space<vmem>>)
      tpu.yield
    }) : () -> ()
    %jit3A_19 = arith.constant 16 : i32
    %div3A_20 = arith.divsi %mul3A_2, %jit3A_19 : i32
    %sign3A_21 = arith.constant 0 : i32
    %sign3A_22 = arith.cmpi sgt, %mul3A_2, %sign3A_21 : i32
    %sign3A_23 = arith.extui %sign3A_22 : i1 to i32
    %sign3A_24 = arith.constant 0 : i32
    %sign3A_25 = arith.cmpi slt, %mul3A_2, %sign3A_24 : i32
    %sign3A_26 = arith.extui %sign3A_25 : i1 to i32
    %sign3A_27 = arith.subi %sign3A_23, %sign3A_26 : i32
    %sign3A_28 = arith.constant 0 : i32
    %sign3A_29 = arith.cmpi sgt, %jit3A_19, %sign3A_28 : i32
    %sign3A_30 = arith.extui %sign3A_29 : i1 to i32
    %sign3A_31 = arith.constant 0 : i32
    %sign3A_32 = arith.cmpi slt, %jit3A_19, %sign3A_31 : i32
    %sign3A_33 = arith.extui %sign3A_32 : i1 to i32
    %sign3A_34 = arith.subi %sign3A_30, %sign3A_33 : i32
    %ne3A_35 = arith.cmpi ne, %sign3A_27, %sign3A_34 : i32
    %rem3A_36 = arith.remsi %mul3A_2, %jit3A_19 : i32
    %ne3A_37 = arith.constant 0 : i32
    %ne3A_38 = arith.cmpi ne, %rem3A_36, %ne3A_37 : i32
    %and3A_39 = arith.andi %ne3A_35, %ne3A_38 : i1
    %sub3A_40 = arith.constant 1 : i32
    %sub3A_41 = arith.subi %div3A_20, %sub3A_40 : i32
    %select_n3A_42 = arith.select %and3A_39, %sub3A_41, %div3A_20 : i32
    %jit3A_43 = arith.constant 16 : i32
    %eq3A = arith.constant 0 : i32
    %eq3A_44 = arith.cmpi eq, %jit3A_43, %eq3A : i32
    %jit3A_45 = arith.constant 1 : i32
    %select_n3A_46 = arith.select %eq3A_44, %jit3A_45, %jit3A_43 : i32
    %rem3A_47 = arith.remsi %mul3A_2, %select_n3A_46 : i32
    %ne3A_48 = arith.constant 0 : i32
    %ne3A_49 = arith.cmpi ne, %rem3A_47, %ne3A_48 : i32
    %lt3A = arith.constant 0 : i32
    %lt3A_50 = arith.cmpi slt, %rem3A_47, %lt3A : i32
    %lt3A_51 = arith.constant 0 : i32
    %lt3A_52 = arith.cmpi slt, %select_n3A_46, %lt3A_51 : i32
    %ne3A_53 = arith.xori %lt3A_50, %lt3A_52 : i1
    %and3A_54 = arith.andi %ne3A_53, %ne3A_49 : i1
    %add3A_55 = arith.addi %rem3A_47, %select_n3A_46 : i32
    %select_n3A_56 = arith.select %and3A_54, %add3A_55, %rem3A_47 : i32
    %jit3A_57 = arith.constant 8 : i32
    %div3A_58 = arith.divsi %select_n3A_56, %jit3A_57 : i32
    %sign3A_59 = arith.constant 0 : i32
    %sign3A_60 = arith.cmpi sgt, %select_n3A_56, %sign3A_59 : i32
    %sign3A_61 = arith.extui %sign3A_60 : i1 to i32
    %sign3A_62 = arith.constant 0 : i32
    %sign3A_63 = arith.cmpi slt, %select_n3A_56, %sign3A_62 : i32
    %sign3A_64 = arith.extui %sign3A_63 : i1 to i32
    %sign3A_65 = arith.subi %sign3A_61, %sign3A_64 : i32
    %sign3A_66 = arith.constant 0 : i32
    %sign3A_67 = arith.cmpi sgt, %jit3A_57, %sign3A_66 : i32
    %sign3A_68 = arith.extui %sign3A_67 : i1 to i32
    %sign3A_69 = arith.constant 0 : i32
    %sign3A_70 = arith.cmpi slt, %jit3A_57, %sign3A_69 : i32
    %sign3A_71 = arith.extui %sign3A_70 : i1 to i32
    %sign3A_72 = arith.subi %sign3A_68, %sign3A_71 : i32
    %ne3A_73 = arith.cmpi ne, %sign3A_65, %sign3A_72 : i32
    %rem3A_74 = arith.remsi %select_n3A_56, %jit3A_57 : i32
    %ne3A_75 = arith.constant 0 : i32
    %ne3A_76 = arith.cmpi ne, %rem3A_74, %ne3A_75 : i32
    %and3A_77 = arith.andi %ne3A_73, %ne3A_76 : i1
    %sub3A_78 = arith.constant 1 : i32
    %sub3A_79 = arith.subi %div3A_58, %sub3A_78 : i32
    %select_n3A_80 = arith.select %and3A_77, %sub3A_79, %div3A_58 : i32
    %jit3A_81 = arith.constant 8 : i32
    %eq3A_82 = arith.constant 0 : i32
    %eq3A_83 = arith.cmpi eq, %jit3A_81, %eq3A_82 : i32
    %jit3A_84 = arith.constant 1 : i32
    %select_n3A_85 = arith.select %eq3A_83, %jit3A_84, %jit3A_81 : i32
    %rem3A_86 = arith.remsi %select_n3A_56, %select_n3A_85 : i32
    %ne3A_87 = arith.constant 0 : i32
    %ne3A_88 = arith.cmpi ne, %rem3A_86, %ne3A_87 : i32
    %lt3A_89 = arith.constant 0 : i32
    %lt3A_90 = arith.cmpi slt, %rem3A_86, %lt3A_89 : i32
    %lt3A_91 = arith.constant 0 : i32
    %lt3A_92 = arith.cmpi slt, %select_n3A_85, %lt3A_91 : i32
    %ne3A_93 = arith.xori %lt3A_90, %lt3A_92 : i1
    %and3A_94 = arith.andi %ne3A_93, %ne3A_88 : i1
    %add3A_95 = arith.addi %rem3A_86, %select_n3A_85 : i32
    %select_n3A_96 = arith.select %and3A_94, %add3A_95, %rem3A_86 : i32
    %mul3A_97 = arith.constant 8125 : i32
    %mul3A_98 = arith.muli %select_n3A_80, %mul3A_97 : i32
    %mul3A_99 = arith.constant 312 : i32
    %mul3A_100 = arith.muli %mul3A_99, %select_n3A_42 : i32
    %add3A_101 = arith.addi %mul3A_98, %mul3A_100 : i32
    %jit3A_102 = arith.constant 2 : i32
    %div3A_103 = arith.divsi %select_n3A_42, %jit3A_102 : i32
    %sign3A_104 = arith.constant 0 : i32
    %sign3A_105 = arith.cmpi sgt, %select_n3A_42, %sign3A_104 : i32
    %sign3A_106 = arith.extui %sign3A_105 : i1 to i32
    %sign3A_107 = arith.constant 0 : i32
    %sign3A_108 = arith.cmpi slt, %select_n3A_42, %sign3A_107 : i32
    %sign3A_109 = arith.extui %sign3A_108 : i1 to i32
    %sign3A_110 = arith.subi %sign3A_106, %sign3A_109 : i32
    %sign3A_111 = arith.constant 0 : i32
    %sign3A_112 = arith.cmpi sgt, %jit3A_102, %sign3A_111 : i32
    %sign3A_113 = arith.extui %sign3A_112 : i1 to i32
    %sign3A_114 = arith.constant 0 : i32
    %sign3A_115 = arith.cmpi slt, %jit3A_102, %sign3A_114 : i32
    %sign3A_116 = arith.extui %sign3A_115 : i1 to i32
    %sign3A_117 = arith.subi %sign3A_113, %sign3A_116 : i32
    %ne3A_118 = arith.cmpi ne, %sign3A_110, %sign3A_117 : i32
    %rem3A_119 = arith.remsi %select_n3A_42, %jit3A_102 : i32
    %ne3A_120 = arith.constant 0 : i32
    %ne3A_121 = arith.cmpi ne, %rem3A_119, %ne3A_120 : i32
    %and3A_122 = arith.andi %ne3A_118, %ne3A_121 : i1
    %sub3A_123 = arith.constant 1 : i32
    %sub3A_124 = arith.subi %div3A_103, %sub3A_123 : i32
    %select_n3A_125 = arith.select %and3A_122, %sub3A_124, %div3A_103 : i32
    %add3A_126 = arith.addi %add3A_101, %select_n3A_125 : i32
    %mul3A_127 = arith.constant 128 : i32
    %mul3A_128 = arith.muli %select_n3A_96, %mul3A_127 : i32
    %dma_start3A = arith.constant 0 : i32
    %dma_start3A_129 = arith.constant 0 : i32
    %dma_start3A_130 = arith.constant 0 : i32
    %dma_start3A_131 = tpu.memref_slice %arg5[%dma_start3A, %dma_start3A_129, %dma_start3A_130] : memref<2x313x128xf32, #tpu.memory_space<vmem>> -> memref<1x313x128xf32, #tpu.memory_space<vmem>>
    %dma_start3A_132 = tpu.memref_squeeze %dma_start3A_131 : memref<1x313x128xf32, #tpu.memory_space<vmem>> -> memref<313x128xf32, #tpu.memory_space<vmem>>
    %dma_start3A_133 = tpu.memref_slice %arg3[%add3A_126, %mul3A_128] : memref<16250x1024xf32, #tpu.memory_space<hbm>> -> memref<313x128xf32, #tpu.memory_space<hbm>>
    %dma_start3A_134 = arith.constant 0 : i32
    %dma_start3A_135 = arith.constant 0 : i32
    %dma_start3A_136 = tpu.memref_slice %arg5[%dma_start3A, %dma_start3A_134, %dma_start3A_135] : memref<2x313x128xf32, #tpu.memory_space<vmem>> -> memref<1x313x128xf32, #tpu.memory_space<vmem>>
    %dma_start3A_137 = tpu.memref_squeeze %dma_start3A_136 : memref<1x313x128xf32, #tpu.memory_space<vmem>> -> memref<313x128xf32, #tpu.memory_space<vmem>>
    %dma_start3A_138 = tpu.memref_slice %arg3[%add3A_126, %mul3A_128] : memref<16250x1024xf32, #tpu.memory_space<hbm>> -> memref<313x128xf32, #tpu.memory_space<hbm>>
    tpu.enqueue_dma source(%dma_start3A_138 : memref<313x128xf32, #tpu.memory_space<hbm>>) target(%dma_start3A_137 : memref<313x128xf32, #tpu.memory_space<vmem>>) target_semaphore(%arg8 : memref<!tpu.dma_semaphore, #tpu.memory_space<semaphore_mem>>)
    %scan3A = arith.constant 0 : i32
    %scan3A_139 = arith.constant 13 : i32
    %scan3A_140 = arith.addi %scan3A, %scan3A_139 : i32
    %scan3A_141 = arith.constant 1 : i32
    %scan3A_142 = scf.for %scan3A_405 = %scan3A to %scan3A_140 step %scan3A_141 iter_args(%scan3A_406 = %select_n3A) -> (i32)  : i32 {
      %add3A_407 = arith.addi %mul3A_2, %scan3A_405 : i32
      %jit3A_408 = arith.constant 16 : i32
      %div3A_409 = arith.divsi %add3A_407, %jit3A_408 : i32
      %sign3A_410 = arith.constant 0 : i32
      %sign3A_411 = arith.cmpi sgt, %add3A_407, %sign3A_410 : i32
      %sign3A_412 = arith.extui %sign3A_411 : i1 to i32
      %sign3A_413 = arith.constant 0 : i32
      %sign3A_414 = arith.cmpi slt, %add3A_407, %sign3A_413 : i32
      %sign3A_415 = arith.extui %sign3A_414 : i1 to i32
      %sign3A_416 = arith.subi %sign3A_412, %sign3A_415 : i32
      %sign3A_417 = arith.constant 0 : i32
      %sign3A_418 = arith.cmpi sgt, %jit3A_408, %sign3A_417 : i32
      %sign3A_419 = arith.extui %sign3A_418 : i1 to i32
      %sign3A_420 = arith.constant 0 : i32
      %sign3A_421 = arith.cmpi slt, %jit3A_408, %sign3A_420 : i32
      %sign3A_422 = arith.extui %sign3A_421 : i1 to i32
      %sign3A_423 = arith.subi %sign3A_419, %sign3A_422 : i32
      %ne3A_424 = arith.cmpi ne, %sign3A_416, %sign3A_423 : i32
      %rem3A_425 = arith.remsi %add3A_407, %jit3A_408 : i32
      %ne3A_426 = arith.constant 0 : i32
      %ne3A_427 = arith.cmpi ne, %rem3A_425, %ne3A_426 : i32
      %and3A_428 = arith.andi %ne3A_424, %ne3A_427 : i1
      %sub3A_429 = arith.constant 1 : i32
      %sub3A_430 = arith.subi %div3A_409, %sub3A_429 : i32
      %select_n3A_431 = arith.select %and3A_428, %sub3A_430, %div3A_409 : i32
      %jit3A_432 = arith.constant 16 : i32
      %eq3A_433 = arith.constant 0 : i32
      %eq3A_434 = arith.cmpi eq, %jit3A_432, %eq3A_433 : i32
      %jit3A_435 = arith.constant 1 : i32
      %select_n3A_436 = arith.select %eq3A_434, %jit3A_435, %jit3A_432 : i32
      %rem3A_437 = arith.remsi %add3A_407, %select_n3A_436 : i32
      %ne3A_438 = arith.constant 0 : i32
      %ne3A_439 = arith.cmpi ne, %rem3A_437, %ne3A_438 : i32
      %lt3A_440 = arith.constant 0 : i32
      %lt3A_441 = arith.cmpi slt, %rem3A_437, %lt3A_440 : i32
      %lt3A_442 = arith.constant 0 : i32
      %lt3A_443 = arith.cmpi slt, %select_n3A_436, %lt3A_442 : i32
      %ne3A_444 = arith.xori %lt3A_441, %lt3A_443 : i1
      %and3A_445 = arith.andi %ne3A_444, %ne3A_439 : i1
      %add3A_446 = arith.addi %rem3A_437, %select_n3A_436 : i32
      %select_n3A_447 = arith.select %and3A_445, %add3A_446, %rem3A_437 : i32
      %jit3A_448 = arith.constant 8 : i32
      %div3A_449 = arith.divsi %select_n3A_447, %jit3A_448 : i32
      %sign3A_450 = arith.constant 0 : i32
      %sign3A_451 = arith.cmpi sgt, %select_n3A_447, %sign3A_450 : i32
      %sign3A_452 = arith.extui %sign3A_451 : i1 to i32
      %sign3A_453 = arith.constant 0 : i32
      %sign3A_454 = arith.cmpi slt, %select_n3A_447, %sign3A_453 : i32
      %sign3A_455 = arith.extui %sign3A_454 : i1 to i32
      %sign3A_456 = arith.subi %sign3A_452, %sign3A_455 : i32
      %sign3A_457 = arith.constant 0 : i32
      %sign3A_458 = arith.cmpi sgt, %jit3A_448, %sign3A_457 : i32
      %sign3A_459 = arith.extui %sign3A_458 : i1 to i32
      %sign3A_460 = arith.constant 0 : i32
      %sign3A_461 = arith.cmpi slt, %jit3A_448, %sign3A_460 : i32
      %sign3A_462 = arith.extui %sign3A_461 : i1 to i32
      %sign3A_463 = arith.subi %sign3A_459, %sign3A_462 : i32
      %ne3A_464 = arith.cmpi ne, %sign3A_456, %sign3A_463 : i32
      %rem3A_465 = arith.remsi %select_n3A_447, %jit3A_448 : i32
      %ne3A_466 = arith.constant 0 : i32
      %ne3A_467 = arith.cmpi ne, %rem3A_465, %ne3A_466 : i32
      %and3A_468 = arith.andi %ne3A_464, %ne3A_467 : i1
      %sub3A_469 = arith.constant 1 : i32
      %sub3A_470 = arith.subi %div3A_449, %sub3A_469 : i32
      %select_n3A_471 = arith.select %and3A_468, %sub3A_470, %div3A_449 : i32
      %jit3A_472 = arith.constant 8 : i32
      %eq3A_473 = arith.constant 0 : i32
      %eq3A_474 = arith.cmpi eq, %jit3A_472, %eq3A_473 : i32
      %jit3A_475 = arith.constant 1 : i32
      %select_n3A_476 = arith.select %eq3A_474, %jit3A_475, %jit3A_472 : i32
      %rem3A_477 = arith.remsi %select_n3A_447, %select_n3A_476 : i32
      %ne3A_478 = arith.constant 0 : i32
      %ne3A_479 = arith.cmpi ne, %rem3A_477, %ne3A_478 : i32
      %lt3A_480 = arith.constant 0 : i32
      %lt3A_481 = arith.cmpi slt, %rem3A_477, %lt3A_480 : i32
      %lt3A_482 = arith.constant 0 : i32
      %lt3A_483 = arith.cmpi slt, %select_n3A_476, %lt3A_482 : i32
      %ne3A_484 = arith.xori %lt3A_481, %lt3A_483 : i1
      %and3A_485 = arith.andi %ne3A_484, %ne3A_479 : i1
      %add3A_486 = arith.addi %rem3A_477, %select_n3A_476 : i32
      %select_n3A_487 = arith.select %and3A_485, %add3A_486, %rem3A_477 : i32
      %mul3A_488 = arith.constant 8125 : i32
      %mul3A_489 = arith.muli %select_n3A_471, %mul3A_488 : i32
      %mul3A_490 = arith.constant 312 : i32
      %mul3A_491 = arith.muli %mul3A_490, %select_n3A_431 : i32
      %add3A_492 = arith.addi %mul3A_489, %mul3A_491 : i32
      %jit3A_493 = arith.constant 2 : i32
      %div3A_494 = arith.divsi %select_n3A_431, %jit3A_493 : i32
      %sign3A_495 = arith.constant 0 : i32
      %sign3A_496 = arith.cmpi sgt, %select_n3A_431, %sign3A_495 : i32
      %sign3A_497 = arith.extui %sign3A_496 : i1 to i32
      %sign3A_498 = arith.constant 0 : i32
      %sign3A_499 = arith.cmpi slt, %select_n3A_431, %sign3A_498 : i32
      %sign3A_500 = arith.extui %sign3A_499 : i1 to i32
      %sign3A_501 = arith.subi %sign3A_497, %sign3A_500 : i32
      %sign3A_502 = arith.constant 0 : i32
      %sign3A_503 = arith.cmpi sgt, %jit3A_493, %sign3A_502 : i32
      %sign3A_504 = arith.extui %sign3A_503 : i1 to i32
      %sign3A_505 = arith.constant 0 : i32
      %sign3A_506 = arith.cmpi slt, %jit3A_493, %sign3A_505 : i32
      %sign3A_507 = arith.extui %sign3A_506 : i1 to i32
      %sign3A_508 = arith.subi %sign3A_504, %sign3A_507 : i32
      %ne3A_509 = arith.cmpi ne, %sign3A_501, %sign3A_508 : i32
      %rem3A_510 = arith.remsi %select_n3A_431, %jit3A_493 : i32
      %ne3A_511 = arith.constant 0 : i32
      %ne3A_512 = arith.cmpi ne, %rem3A_510, %ne3A_511 : i32
      %and3A_513 = arith.andi %ne3A_509, %ne3A_512 : i1
      %sub3A_514 = arith.constant 1 : i32
      %sub3A_515 = arith.subi %div3A_494, %sub3A_514 : i32
      %select_n3A_516 = arith.select %and3A_513, %sub3A_515, %div3A_494 : i32
      %add3A_517 = arith.addi %add3A_492, %select_n3A_516 : i32
      %jit3A_518 = arith.constant 2 : i32
      %eq3A_519 = arith.constant 0 : i32
      %eq3A_520 = arith.cmpi eq, %jit3A_518, %eq3A_519 : i32
      %jit3A_521 = arith.constant 1 : i32
      %select_n3A_522 = arith.select %eq3A_520, %jit3A_521, %jit3A_518 : i32
      %rem3A_523 = arith.remsi %scan3A_405, %select_n3A_522 : i32
      %ne3A_524 = arith.constant 0 : i32
      %ne3A_525 = arith.cmpi ne, %rem3A_523, %ne3A_524 : i32
      %lt3A_526 = arith.constant 0 : i32
      %lt3A_527 = arith.cmpi slt, %rem3A_523, %lt3A_526 : i32
      %lt3A_528 = arith.constant 0 : i32
      %lt3A_529 = arith.cmpi slt, %select_n3A_522, %lt3A_528 : i32
      %ne3A_530 = arith.xori %lt3A_527, %lt3A_529 : i1
      %and3A_531 = arith.andi %ne3A_530, %ne3A_525 : i1
      %add3A_532 = arith.addi %rem3A_523, %select_n3A_522 : i32
      %select_n3A_533 = arith.select %and3A_531, %add3A_532, %rem3A_523 : i32
      %add3A_534 = arith.constant 1 : i32
      %add3A_535 = arith.addi %scan3A_405, %add3A_534 : i32
      %lt3A_536 = arith.constant 13 : i32
      %lt3A_537 = arith.cmpi slt, %add3A_535, %lt3A_536 : i32
      %convert_element_type3A = arith.extui %lt3A_537 : i1 to i32
      %cond3A = arith.constant 0 : i32
      %cond3A_538 = arith.cmpi ne, %convert_element_type3A, %cond3A : i32
      scf.if %cond3A_538 {
        %add3A_587 = arith.constant 1 : i32
        %add3A_588 = arith.addi %scan3A_405, %add3A_587 : i32
        %jit3A_589 = arith.constant 2 : i32
        %eq3A_590 = arith.constant 0 : i32
        %eq3A_591 = arith.cmpi eq, %jit3A_589, %eq3A_590 : i32
        %jit3A_592 = arith.constant 1 : i32
        %select_n3A_593 = arith.select %eq3A_591, %jit3A_592, %jit3A_589 : i32
        %rem3A_594 = arith.remsi %add3A_588, %select_n3A_593 : i32
        %ne3A_595 = arith.constant 0 : i32
        %ne3A_596 = arith.cmpi ne, %rem3A_594, %ne3A_595 : i32
        %lt3A_597 = arith.constant 0 : i32
        %lt3A_598 = arith.cmpi slt, %rem3A_594, %lt3A_597 : i32
        %lt3A_599 = arith.constant 0 : i32
        %lt3A_600 = arith.cmpi slt, %select_n3A_593, %lt3A_599 : i32
        %ne3A_601 = arith.xori %lt3A_598, %lt3A_600 : i1
        %and3A_602 = arith.andi %ne3A_601, %ne3A_596 : i1
        %add3A_603 = arith.addi %rem3A_594, %select_n3A_593 : i32
        %select_n3A_604 = arith.select %and3A_602, %add3A_603, %rem3A_594 : i32
        %eq3A_605 = arith.constant 0 : i32
        %eq3A_606 = arith.cmpi eq, %select_n3A_604, %eq3A_605 : i32
        %convert_element_type3A_607 = arith.extui %eq3A_606 : i1 to i32
        %cond3A_608 = arith.constant 0 : i32
        %cond3A_609 = arith.cmpi ne, %convert_element_type3A_607, %cond3A_608 : i32
        scf.if %cond3A_609 {
          %add3A_633 = arith.constant 1 : i32
          %add3A_634 = arith.addi %add3A_407, %add3A_633 : i32
          %jit3A_635 = arith.constant 16 : i32
          %div3A_636 = arith.divsi %add3A_634, %jit3A_635 : i32
          %sign3A_637 = arith.constant 0 : i32
          %sign3A_638 = arith.cmpi sgt, %add3A_634, %sign3A_637 : i32
          %sign3A_639 = arith.extui %sign3A_638 : i1 to i32
          %sign3A_640 = arith.constant 0 : i32
          %sign3A_641 = arith.cmpi slt, %add3A_634, %sign3A_640 : i32
          %sign3A_642 = arith.extui %sign3A_641 : i1 to i32
          %sign3A_643 = arith.subi %sign3A_639, %sign3A_642 : i32
          %sign3A_644 = arith.constant 0 : i32
          %sign3A_645 = arith.cmpi sgt, %jit3A_635, %sign3A_644 : i32
          %sign3A_646 = arith.extui %sign3A_645 : i1 to i32
          %sign3A_647 = arith.constant 0 : i32
          %sign3A_648 = arith.cmpi slt, %jit3A_635, %sign3A_647 : i32
          %sign3A_649 = arith.extui %sign3A_648 : i1 to i32
          %sign3A_650 = arith.subi %sign3A_646, %sign3A_649 : i32
          %ne3A_651 = arith.cmpi ne, %sign3A_643, %sign3A_650 : i32
          %rem3A_652 = arith.remsi %add3A_634, %jit3A_635 : i32
          %ne3A_653 = arith.constant 0 : i32
          %ne3A_654 = arith.cmpi ne, %rem3A_652, %ne3A_653 : i32
          %and3A_655 = arith.andi %ne3A_651, %ne3A_654 : i1
          %sub3A_656 = arith.constant 1 : i32
          %sub3A_657 = arith.subi %div3A_636, %sub3A_656 : i32
          %select_n3A_658 = arith.select %and3A_655, %sub3A_657, %div3A_636 : i32
          %jit3A_659 = arith.constant 16 : i32
          %eq3A_660 = arith.constant 0 : i32
          %eq3A_661 = arith.cmpi eq, %jit3A_659, %eq3A_660 : i32
          %jit3A_662 = arith.constant 1 : i32
          %select_n3A_663 = arith.select %eq3A_661, %jit3A_662, %jit3A_659 : i32
          %rem3A_664 = arith.remsi %add3A_634, %select_n3A_663 : i32
          %ne3A_665 = arith.constant 0 : i32
          %ne3A_666 = arith.cmpi ne, %rem3A_664, %ne3A_665 : i32
          %lt3A_667 = arith.constant 0 : i32
          %lt3A_668 = arith.cmpi slt, %rem3A_664, %lt3A_667 : i32
          %lt3A_669 = arith.constant 0 : i32
          %lt3A_670 = arith.cmpi slt, %select_n3A_663, %lt3A_669 : i32
          %ne3A_671 = arith.xori %lt3A_668, %lt3A_670 : i1
          %and3A_672 = arith.andi %ne3A_671, %ne3A_666 : i1
          %add3A_673 = arith.addi %rem3A_664, %select_n3A_663 : i32
          %select_n3A_674 = arith.select %and3A_672, %add3A_673, %rem3A_664 : i32
          %jit3A_675 = arith.constant 8 : i32
          %div3A_676 = arith.divsi %select_n3A_674, %jit3A_675 : i32
          %sign3A_677 = arith.constant 0 : i32
          %sign3A_678 = arith.cmpi sgt, %select_n3A_674, %sign3A_677 : i32
          %sign3A_679 = arith.extui %sign3A_678 : i1 to i32
          %sign3A_680 = arith.constant 0 : i32
          %sign3A_681 = arith.cmpi slt, %select_n3A_674, %sign3A_680 : i32
          %sign3A_682 = arith.extui %sign3A_681 : i1 to i32
          %sign3A_683 = arith.subi %sign3A_679, %sign3A_682 : i32
          %sign3A_684 = arith.constant 0 : i32
          %sign3A_685 = arith.cmpi sgt, %jit3A_675, %sign3A_684 : i32
          %sign3A_686 = arith.extui %sign3A_685 : i1 to i32
          %sign3A_687 = arith.constant 0 : i32
          %sign3A_688 = arith.cmpi slt, %jit3A_675, %sign3A_687 : i32
          %sign3A_689 = arith.extui %sign3A_688 : i1 to i32
          %sign3A_690 = arith.subi %sign3A_686, %sign3A_689 : i32
          %ne3A_691 = arith.cmpi ne, %sign3A_683, %sign3A_690 : i32
          %rem3A_692 = arith.remsi %select_n3A_674, %jit3A_675 : i32
          %ne3A_693 = arith.constant 0 : i32
          %ne3A_694 = arith.cmpi ne, %rem3A_692, %ne3A_693 : i32
          %and3A_695 = arith.andi %ne3A_691, %ne3A_694 : i1
          %sub3A_696 = arith.constant 1 : i32
          %sub3A_697 = arith.subi %div3A_676, %sub3A_696 : i32
          %select_n3A_698 = arith.select %and3A_695, %sub3A_697, %div3A_676 : i32
          %jit3A_699 = arith.constant 8 : i32
          %eq3A_700 = arith.constant 0 : i32
          %eq3A_701 = arith.cmpi eq, %jit3A_699, %eq3A_700 : i32
          %jit3A_702 = arith.constant 1 : i32
          %select_n3A_703 = arith.select %eq3A_701, %jit3A_702, %jit3A_699 : i32
          %rem3A_704 = arith.remsi %select_n3A_674, %select_n3A_703 : i32
          %ne3A_705 = arith.constant 0 : i32
          %ne3A_706 = arith.cmpi ne, %rem3A_704, %ne3A_705 : i32
          %lt3A_707 = arith.constant 0 : i32
          %lt3A_708 = arith.cmpi slt, %rem3A_704, %lt3A_707 : i32
          %lt3A_709 = arith.constant 0 : i32
          %lt3A_710 = arith.cmpi slt, %select_n3A_703, %lt3A_709 : i32
          %ne3A_711 = arith.xori %lt3A_708, %lt3A_710 : i1
          %and3A_712 = arith.andi %ne3A_711, %ne3A_706 : i1
          %add3A_713 = arith.addi %rem3A_704, %select_n3A_703 : i32
          %select_n3A_714 = arith.select %and3A_712, %add3A_713, %rem3A_704 : i32
          %mul3A_715 = arith.constant 8125 : i32
          %mul3A_716 = arith.muli %select_n3A_698, %mul3A_715 : i32
          %mul3A_717 = arith.constant 312 : i32
          %mul3A_718 = arith.muli %mul3A_717, %select_n3A_658 : i32
          %add3A_719 = arith.addi %mul3A_716, %mul3A_718 : i32
          %jit3A_720 = arith.constant 2 : i32
          %div3A_721 = arith.divsi %select_n3A_658, %jit3A_720 : i32
          %sign3A_722 = arith.constant 0 : i32
          %sign3A_723 = arith.cmpi sgt, %select_n3A_658, %sign3A_722 : i32
          %sign3A_724 = arith.extui %sign3A_723 : i1 to i32
          %sign3A_725 = arith.constant 0 : i32
          %sign3A_726 = arith.cmpi slt, %select_n3A_658, %sign3A_725 : i32
          %sign3A_727 = arith.extui %sign3A_726 : i1 to i32
          %sign3A_728 = arith.subi %sign3A_724, %sign3A_727 : i32
          %sign3A_729 = arith.constant 0 : i32
          %sign3A_730 = arith.cmpi sgt, %jit3A_720, %sign3A_729 : i32
          %sign3A_731 = arith.extui %sign3A_730 : i1 to i32
          %sign3A_732 = arith.constant 0 : i32
          %sign3A_733 = arith.cmpi slt, %jit3A_720, %sign3A_732 : i32
          %sign3A_734 = arith.extui %sign3A_733 : i1 to i32
          %sign3A_735 = arith.subi %sign3A_731, %sign3A_734 : i32
          %ne3A_736 = arith.cmpi ne, %sign3A_728, %sign3A_735 : i32
          %rem3A_737 = arith.remsi %select_n3A_658, %jit3A_720 : i32
          %ne3A_738 = arith.constant 0 : i32
          %ne3A_739 = arith.cmpi ne, %rem3A_737, %ne3A_738 : i32
          %and3A_740 = arith.andi %ne3A_736, %ne3A_739 : i1
          %sub3A_741 = arith.constant 1 : i32
          %sub3A_742 = arith.subi %div3A_721, %sub3A_741 : i32
          %select_n3A_743 = arith.select %and3A_740, %sub3A_742, %div3A_721 : i32
          %add3A_744 = arith.addi %add3A_719, %select_n3A_743 : i32
          %mul3A_745 = arith.constant 128 : i32
          %mul3A_746 = arith.muli %select_n3A_714, %mul3A_745 : i32
          %dma_start3A_747 = arith.constant 0 : i32
          %dma_start3A_748 = arith.constant 0 : i32
          %dma_start3A_749 = arith.constant 0 : i32
          %dma_start3A_750 = tpu.memref_slice %arg5[%dma_start3A_747, %dma_start3A_748, %dma_start3A_749] : memref<2x313x128xf32, #tpu.memory_space<vmem>> -> memref<1x313x128xf32, #tpu.memory_space<vmem>>
          %dma_start3A_751 = tpu.memref_squeeze %dma_start3A_750 : memref<1x313x128xf32, #tpu.memory_space<vmem>> -> memref<313x128xf32, #tpu.memory_space<vmem>>
          %dma_start3A_752 = tpu.memref_slice %arg3[%add3A_744, %mul3A_746] : memref<16250x1024xf32, #tpu.memory_space<hbm>> -> memref<313x128xf32, #tpu.memory_space<hbm>>
          %dma_start3A_753 = arith.constant 0 : i32
          %dma_start3A_754 = arith.constant 0 : i32
          %dma_start3A_755 = tpu.memref_slice %arg5[%dma_start3A_747, %dma_start3A_753, %dma_start3A_754] : memref<2x313x128xf32, #tpu.memory_space<vmem>> -> memref<1x313x128xf32, #tpu.memory_space<vmem>>
          %dma_start3A_756 = tpu.memref_squeeze %dma_start3A_755 : memref<1x313x128xf32, #tpu.memory_space<vmem>> -> memref<313x128xf32, #tpu.memory_space<vmem>>
          %dma_start3A_757 = tpu.memref_slice %arg3[%add3A_744, %mul3A_746] : memref<16250x1024xf32, #tpu.memory_space<hbm>> -> memref<313x128xf32, #tpu.memory_space<hbm>>
          tpu.enqueue_dma source(%dma_start3A_757 : memref<313x128xf32, #tpu.memory_space<hbm>>) target(%dma_start3A_756 : memref<313x128xf32, #tpu.memory_space<vmem>>) target_semaphore(%arg8 : memref<!tpu.dma_semaphore, #tpu.memory_space<semaphore_mem>>)
        } else {
        }
        %add3A_610 = arith.constant 1 : i32
        %add3A_611 = arith.addi %scan3A_405, %add3A_610 : i32
        %jit3A_612 = arith.constant 2 : i32
        %eq3A_613 = arith.constant 0 : i32
        %eq3A_614 = arith.cmpi eq, %jit3A_612, %eq3A_613 : i32
        %jit3A_615 = arith.constant 1 : i32
        %select_n3A_616 = arith.select %eq3A_614, %jit3A_615, %jit3A_612 : i32
        %rem3A_617 = arith.remsi %add3A_611, %select_n3A_616 : i32
        %ne3A_618 = arith.constant 0 : i32
        %ne3A_619 = arith.cmpi ne, %rem3A_617, %ne3A_618 : i32
        %lt3A_620 = arith.constant 0 : i32
        %lt3A_621 = arith.cmpi slt, %rem3A_617, %lt3A_620 : i32
        %lt3A_622 = arith.constant 0 : i32
        %lt3A_623 = arith.cmpi slt, %select_n3A_616, %lt3A_622 : i32
        %ne3A_624 = arith.xori %lt3A_621, %lt3A_623 : i1
        %and3A_625 = arith.andi %ne3A_624, %ne3A_619 : i1
        %add3A_626 = arith.addi %rem3A_617, %select_n3A_616 : i32
        %select_n3A_627 = arith.select %and3A_625, %add3A_626, %rem3A_617 : i32
        %eq3A_628 = arith.constant 1 : i32
        %eq3A_629 = arith.cmpi eq, %select_n3A_627, %eq3A_628 : i32
        %convert_element_type3A_630 = arith.extui %eq3A_629 : i1 to i32
        %cond3A_631 = arith.constant 0 : i32
        %cond3A_632 = arith.cmpi ne, %convert_element_type3A_630, %cond3A_631 : i32
        scf.if %cond3A_632 {
          %add3A_633 = arith.constant 1 : i32
          %add3A_634 = arith.addi %add3A_407, %add3A_633 : i32
          %jit3A_635 = arith.constant 16 : i32
          %div3A_636 = arith.divsi %add3A_634, %jit3A_635 : i32
          %sign3A_637 = arith.constant 0 : i32
          %sign3A_638 = arith.cmpi sgt, %add3A_634, %sign3A_637 : i32
          %sign3A_639 = arith.extui %sign3A_638 : i1 to i32
          %sign3A_640 = arith.constant 0 : i32
          %sign3A_641 = arith.cmpi slt, %add3A_634, %sign3A_640 : i32
          %sign3A_642 = arith.extui %sign3A_641 : i1 to i32
          %sign3A_643 = arith.subi %sign3A_639, %sign3A_642 : i32
          %sign3A_644 = arith.constant 0 : i32
          %sign3A_645 = arith.cmpi sgt, %jit3A_635, %sign3A_644 : i32
          %sign3A_646 = arith.extui %sign3A_645 : i1 to i32
          %sign3A_647 = arith.constant 0 : i32
          %sign3A_648 = arith.cmpi slt, %jit3A_635, %sign3A_647 : i32
          %sign3A_649 = arith.extui %sign3A_648 : i1 to i32
          %sign3A_650 = arith.subi %sign3A_646, %sign3A_649 : i32
          %ne3A_651 = arith.cmpi ne, %sign3A_643, %sign3A_650 : i32
          %rem3A_652 = arith.remsi %add3A_634, %jit3A_635 : i32
          %ne3A_653 = arith.constant 0 : i32
          %ne3A_654 = arith.cmpi ne, %rem3A_652, %ne3A_653 : i32
          %and3A_655 = arith.andi %ne3A_651, %ne3A_654 : i1
          %sub3A_656 = arith.constant 1 : i32
          %sub3A_657 = arith.subi %div3A_636, %sub3A_656 : i32
          %select_n3A_658 = arith.select %and3A_655, %sub3A_657, %div3A_636 : i32
          %jit3A_659 = arith.constant 16 : i32
          %eq3A_660 = arith.constant 0 : i32
          %eq3A_661 = arith.cmpi eq, %jit3A_659, %eq3A_660 : i32
          %jit3A_662 = arith.constant 1 : i32
          %select_n3A_663 = arith.select %eq3A_661, %jit3A_662, %jit3A_659 : i32
          %rem3A_664 = arith.remsi %add3A_634, %select_n3A_663 : i32
          %ne3A_665 = arith.constant 0 : i32
          %ne3A_666 = arith.cmpi ne, %rem3A_664, %ne3A_665 : i32
          %lt3A_667 = arith.constant 0 : i32
          %lt3A_668 = arith.cmpi slt, %rem3A_664, %lt3A_667 : i32
          %lt3A_669 = arith.constant 0 : i32
          %lt3A_670 = arith.cmpi slt, %select_n3A_663, %lt3A_669 : i32
          %ne3A_671 = arith.xori %lt3A_668, %lt3A_670 : i1
          %and3A_672 = arith.andi %ne3A_671, %ne3A_666 : i1
          %add3A_673 = arith.addi %rem3A_664, %select_n3A_663 : i32
          %select_n3A_674 = arith.select %and3A_672, %add3A_673, %rem3A_664 : i32
          %jit3A_675 = arith.constant 8 : i32
          %div3A_676 = arith.divsi %select_n3A_674, %jit3A_675 : i32
          %sign3A_677 = arith.constant 0 : i32
          %sign3A_678 = arith.cmpi sgt, %select_n3A_674, %sign3A_677 : i32
          %sign3A_679 = arith.extui %sign3A_678 : i1 to i32
          %sign3A_680 = arith.constant 0 : i32
          %sign3A_681 = arith.cmpi slt, %select_n3A_674, %sign3A_680 : i32
          %sign3A_682 = arith.extui %sign3A_681 : i1 to i32
          %sign3A_683 = arith.subi %sign3A_679, %sign3A_682 : i32
          %sign3A_684 = arith.constant 0 : i32
          %sign3A_685 = arith.cmpi sgt, %jit3A_675, %sign3A_684 : i32
          %sign3A_686 = arith.extui %sign3A_685 : i1 to i32
          %sign3A_687 = arith.constant 0 : i32
          %sign3A_688 = arith.cmpi slt, %jit3A_675, %sign3A_687 : i32
          %sign3A_689 = arith.extui %sign3A_688 : i1 to i32
          %sign3A_690 = arith.subi %sign3A_686, %sign3A_689 : i32
          %ne3A_691 = arith.cmpi ne, %sign3A_683, %sign3A_690 : i32
          %rem3A_692 = arith.remsi %select_n3A_674, %jit3A_675 : i32
          %ne3A_693 = arith.constant 0 : i32
          %ne3A_694 = arith.cmpi ne, %rem3A_692, %ne3A_693 : i32
          %and3A_695 = arith.andi %ne3A_691, %ne3A_694 : i1
          %sub3A_696 = arith.constant 1 : i32
          %sub3A_697 = arith.subi %div3A_676, %sub3A_696 : i32
          %select_n3A_698 = arith.select %and3A_695, %sub3A_697, %div3A_676 : i32
          %jit3A_699 = arith.constant 8 : i32
          %eq3A_700 = arith.constant 0 : i32
          %eq3A_701 = arith.cmpi eq, %jit3A_699, %eq3A_700 : i32
          %jit3A_702 = arith.constant 1 : i32
          %select_n3A_703 = arith.select %eq3A_701, %jit3A_702, %jit3A_699 : i32
          %rem3A_704 = arith.remsi %select_n3A_674, %select_n3A_703 : i32
          %ne3A_705 = arith.constant 0 : i32
          %ne3A_706 = arith.cmpi ne, %rem3A_704, %ne3A_705 : i32
          %lt3A_707 = arith.constant 0 : i32
          %lt3A_708 = arith.cmpi slt, %rem3A_704, %lt3A_707 : i32
          %lt3A_709 = arith.constant 0 : i32
          %lt3A_710 = arith.cmpi slt, %select_n3A_703, %lt3A_709 : i32
          %ne3A_711 = arith.xori %lt3A_708, %lt3A_710 : i1
          %and3A_712 = arith.andi %ne3A_711, %ne3A_706 : i1
          %add3A_713 = arith.addi %rem3A_704, %select_n3A_703 : i32
          %select_n3A_714 = arith.select %and3A_712, %add3A_713, %rem3A_704 : i32
          %mul3A_715 = arith.constant 8125 : i32
          %mul3A_716 = arith.muli %select_n3A_698, %mul3A_715 : i32
          %mul3A_717 = arith.constant 312 : i32
          %mul3A_718 = arith.muli %mul3A_717, %select_n3A_658 : i32
          %add3A_719 = arith.addi %mul3A_716, %mul3A_718 : i32
          %jit3A_720 = arith.constant 2 : i32
          %div3A_721 = arith.divsi %select_n3A_658, %jit3A_720 : i32
          %sign3A_722 = arith.constant 0 : i32
          %sign3A_723 = arith.cmpi sgt, %select_n3A_658, %sign3A_722 : i32
          %sign3A_724 = arith.extui %sign3A_723 : i1 to i32
          %sign3A_725 = arith.constant 0 : i32
          %sign3A_726 = arith.cmpi slt, %select_n3A_658, %sign3A_725 : i32
          %sign3A_727 = arith.extui %sign3A_726 : i1 to i32
          %sign3A_728 = arith.subi %sign3A_724, %sign3A_727 : i32
          %sign3A_729 = arith.constant 0 : i32
          %sign3A_730 = arith.cmpi sgt, %jit3A_720, %sign3A_729 : i32
          %sign3A_731 = arith.extui %sign3A_730 : i1 to i32
          %sign3A_732 = arith.constant 0 : i32
          %sign3A_733 = arith.cmpi slt, %jit3A_720, %sign3A_732 : i32
          %sign3A_734 = arith.extui %sign3A_733 : i1 to i32
          %sign3A_735 = arith.subi %sign3A_731, %sign3A_734 : i32
          %ne3A_736 = arith.cmpi ne, %sign3A_728, %sign3A_735 : i32
          %rem3A_737 = arith.remsi %select_n3A_658, %jit3A_720 : i32
          %ne3A_738 = arith.constant 0 : i32
          %ne3A_739 = arith.cmpi ne, %rem3A_737, %ne3A_738 : i32
          %and3A_740 = arith.andi %ne3A_736, %ne3A_739 : i1
          %sub3A_741 = arith.constant 1 : i32
          %sub3A_742 = arith.subi %div3A_721, %sub3A_741 : i32
          %select_n3A_743 = arith.select %and3A_740, %sub3A_742, %div3A_721 : i32
          %add3A_744 = arith.addi %add3A_719, %select_n3A_743 : i32
          %mul3A_745 = arith.constant 128 : i32
          %mul3A_746 = arith.muli %select_n3A_714, %mul3A_745 : i32
          %dma_start3A_747 = arith.constant 1 : i32
          %dma_start3A_748 = arith.constant 0 : i32
          %dma_start3A_749 = arith.constant 0 : i32
          %dma_start3A_750 = tpu.memref_slice %arg5[%dma_start3A_747, %dma_start3A_748, %dma_start3A_749] : memref<2x313x128xf32, #tpu.memory_space<vmem>> -> memref<1x313x128xf32, #tpu.memory_space<vmem>>
          %dma_start3A_751 = tpu.memref_squeeze %dma_start3A_750 : memref<1x313x128xf32, #tpu.memory_space<vmem>> -> memref<313x128xf32, #tpu.memory_space<vmem>>
          %dma_start3A_752 = tpu.memref_slice %arg3[%add3A_744, %mul3A_746] : memref<16250x1024xf32, #tpu.memory_space<hbm>> -> memref<313x128xf32, #tpu.memory_space<hbm>>
          %dma_start3A_753 = arith.constant 0 : i32
          %dma_start3A_754 = arith.constant 0 : i32
          %dma_start3A_755 = tpu.memref_slice %arg5[%dma_start3A_747, %dma_start3A_753, %dma_start3A_754] : memref<2x313x128xf32, #tpu.memory_space<vmem>> -> memref<1x313x128xf32, #tpu.memory_space<vmem>>
          %dma_start3A_756 = tpu.memref_squeeze %dma_start3A_755 : memref<1x313x128xf32, #tpu.memory_space<vmem>> -> memref<313x128xf32, #tpu.memory_space<vmem>>
          %dma_start3A_757 = tpu.memref_slice %arg3[%add3A_744, %mul3A_746] : memref<16250x1024xf32, #tpu.memory_space<hbm>> -> memref<313x128xf32, #tpu.memory_space<hbm>>
          tpu.enqueue_dma source(%dma_start3A_757 : memref<313x128xf32, #tpu.memory_space<hbm>>) target(%dma_start3A_756 : memref<313x128xf32, #tpu.memory_space<vmem>>) target_semaphore(%arg9 : memref<!tpu.dma_semaphore, #tpu.memory_space<semaphore_mem>>)
        } else {
        }
      } else {
      }
      %ne3A_539 = arith.cmpi ne, %select_n3A_431, %scan3A_406 : i32
      %convert_element_type3A_540 = arith.extui %ne3A_539 : i1 to i32
      %cond3A_541 = arith.constant 0 : i32
      %cond3A_542 = arith.cmpi ne, %convert_element_type3A_540, %cond3A_541 : i32
      scf.if %cond3A_542 {
        "tpu.region"() ({
          %run_scoped3A = tpu.sem_alloc : memref<!tpu.dma_semaphore, #tpu.memory_space<semaphore_mem>>
          %dma_start3A_587 = arith.constant 0 : i32
          %dma_start3A_588 = tpu.memref_slice %arg2[%select_n3A_431, %dma_start3A_587] : memref<26x16384xi32, #tpu.memory_space<hbm>> -> memref<1x16384xi32, #tpu.memory_space<hbm>>
          %dma_start3A_589 = tpu.memref_squeeze %dma_start3A_588 : memref<1x16384xi32, #tpu.memory_space<hbm>> -> memref<16384xi32, #tpu.memory_space<hbm>>
          %dma_start3A_590 = arith.constant 0 : i32
          %dma_start3A_591 = tpu.memref_slice %arg2[%select_n3A_431, %dma_start3A_590] : memref<26x16384xi32, #tpu.memory_space<hbm>> -> memref<1x16384xi32, #tpu.memory_space<hbm>>
          %dma_start3A_592 = tpu.memref_squeeze %dma_start3A_591 : memref<1x16384xi32, #tpu.memory_space<hbm>> -> memref<16384xi32, #tpu.memory_space<hbm>>
          tpu.enqueue_dma source(%dma_start3A_592 : memref<16384xi32, #tpu.memory_space<hbm>>) target(%arg6 : memref<16384xi32, #tpu.memory_space<vmem>>) target_semaphore(%run_scoped3A : memref<!tpu.dma_semaphore, #tpu.memory_space<semaphore_mem>>)
          %dma_wait3A_593 = arith.constant 0 : i32
          %dma_wait3A_594 = tpu.memref_slice %arg2[%select_n3A_431, %dma_wait3A_593] : memref<26x16384xi32, #tpu.memory_space<hbm>> -> memref<1x16384xi32, #tpu.memory_space<hbm>>
          %dma_wait3A_595 = tpu.memref_squeeze %dma_wait3A_594 : memref<1x16384xi32, #tpu.memory_space<hbm>> -> memref<16384xi32, #tpu.memory_space<hbm>>
          %dma_wait3A_596 = arith.constant 0 : i32
          %dma_wait3A_597 = tpu.memref_slice %arg2[%select_n3A_431, %dma_wait3A_596] : memref<26x16384xi32, #tpu.memory_space<hbm>> -> memref<1x16384xi32, #tpu.memory_space<hbm>>
          %dma_wait3A_598 = tpu.memref_squeeze %dma_wait3A_597 : memref<1x16384xi32, #tpu.memory_space<hbm>> -> memref<16384xi32, #tpu.memory_space<hbm>>
          tpu.wait_dma2 semaphore(%run_scoped3A : memref<!tpu.dma_semaphore, #tpu.memory_space<semaphore_mem>>) src(%dma_wait3A_598 : memref<16384xi32, #tpu.memory_space<hbm>>) dst(%arg6 : memref<16384xi32, #tpu.memory_space<vmem>>)
          tpu.yield
        }) : () -> ()
      } else {
      }
      %eq3A_543 = arith.constant 0 : i32
      %eq3A_544 = arith.cmpi eq, %select_n3A_533, %eq3A_543 : i32
      %convert_element_type3A_545 = arith.extui %eq3A_544 : i1 to i32
      %cond3A_546 = arith.constant 0 : i32
      %cond3A_547 = arith.cmpi ne, %convert_element_type3A_545, %cond3A_546 : i32
      scf.if %cond3A_547 {
        %jit3A_587 = arith.constant 16 : i32
        %div3A_588 = arith.divsi %add3A_407, %jit3A_587 : i32
        %sign3A_589 = arith.constant 0 : i32
        %sign3A_590 = arith.cmpi sgt, %add3A_407, %sign3A_589 : i32
        %sign3A_591 = arith.extui %sign3A_590 : i1 to i32
        %sign3A_592 = arith.constant 0 : i32
        %sign3A_593 = arith.cmpi slt, %add3A_407, %sign3A_592 : i32
        %sign3A_594 = arith.extui %sign3A_593 : i1 to i32
        %sign3A_595 = arith.subi %sign3A_591, %sign3A_594 : i32
        %sign3A_596 = arith.constant 0 : i32
        %sign3A_597 = arith.cmpi sgt, %jit3A_587, %sign3A_596 : i32
        %sign3A_598 = arith.extui %sign3A_597 : i1 to i32
        %sign3A_599 = arith.constant 0 : i32
        %sign3A_600 = arith.cmpi slt, %jit3A_587, %sign3A_599 : i32
        %sign3A_601 = arith.extui %sign3A_600 : i1 to i32
        %sign3A_602 = arith.subi %sign3A_598, %sign3A_601 : i32
        %ne3A_603 = arith.cmpi ne, %sign3A_595, %sign3A_602 : i32
        %rem3A_604 = arith.remsi %add3A_407, %jit3A_587 : i32
        %ne3A_605 = arith.constant 0 : i32
        %ne3A_606 = arith.cmpi ne, %rem3A_604, %ne3A_605 : i32
        %and3A_607 = arith.andi %ne3A_603, %ne3A_606 : i1
        %sub3A_608 = arith.constant 1 : i32
        %sub3A_609 = arith.subi %div3A_588, %sub3A_608 : i32
        %select_n3A_610 = arith.select %and3A_607, %sub3A_609, %div3A_588 : i32
        %jit3A_611 = arith.constant 16 : i32
        %eq3A_612 = arith.constant 0 : i32
        %eq3A_613 = arith.cmpi eq, %jit3A_611, %eq3A_612 : i32
        %jit3A_614 = arith.constant 1 : i32
        %select_n3A_615 = arith.select %eq3A_613, %jit3A_614, %jit3A_611 : i32
        %rem3A_616 = arith.remsi %add3A_407, %select_n3A_615 : i32
        %ne3A_617 = arith.constant 0 : i32
        %ne3A_618 = arith.cmpi ne, %rem3A_616, %ne3A_617 : i32
        %lt3A_619 = arith.constant 0 : i32
        %lt3A_620 = arith.cmpi slt, %rem3A_616, %lt3A_619 : i32
        %lt3A_621 = arith.constant 0 : i32
        %lt3A_622 = arith.cmpi slt, %select_n3A_615, %lt3A_621 : i32
        %ne3A_623 = arith.xori %lt3A_620, %lt3A_622 : i1
        %and3A_624 = arith.andi %ne3A_623, %ne3A_618 : i1
        %add3A_625 = arith.addi %rem3A_616, %select_n3A_615 : i32
        %select_n3A_626 = arith.select %and3A_624, %add3A_625, %rem3A_616 : i32
        %jit3A_627 = arith.constant 8 : i32
        %div3A_628 = arith.divsi %select_n3A_626, %jit3A_627 : i32
        %sign3A_629 = arith.constant 0 : i32
        %sign3A_630 = arith.cmpi sgt, %select_n3A_626, %sign3A_629 : i32
        %sign3A_631 = arith.extui %sign3A_630 : i1 to i32
        %sign3A_632 = arith.constant 0 : i32
        %sign3A_633 = arith.cmpi slt, %select_n3A_626, %sign3A_632 : i32
        %sign3A_634 = arith.extui %sign3A_633 : i1 to i32
        %sign3A_635 = arith.subi %sign3A_631, %sign3A_634 : i32
        %sign3A_636 = arith.constant 0 : i32
        %sign3A_637 = arith.cmpi sgt, %jit3A_627, %sign3A_636 : i32
        %sign3A_638 = arith.extui %sign3A_637 : i1 to i32
        %sign3A_639 = arith.constant 0 : i32
        %sign3A_640 = arith.cmpi slt, %jit3A_627, %sign3A_639 : i32
        %sign3A_641 = arith.extui %sign3A_640 : i1 to i32
        %sign3A_642 = arith.subi %sign3A_638, %sign3A_641 : i32
        %ne3A_643 = arith.cmpi ne, %sign3A_635, %sign3A_642 : i32
        %rem3A_644 = arith.remsi %select_n3A_626, %jit3A_627 : i32
        %ne3A_645 = arith.constant 0 : i32
        %ne3A_646 = arith.cmpi ne, %rem3A_644, %ne3A_645 : i32
        %and3A_647 = arith.andi %ne3A_643, %ne3A_646 : i1
        %sub3A_648 = arith.constant 1 : i32
        %sub3A_649 = arith.subi %div3A_628, %sub3A_648 : i32
        %select_n3A_650 = arith.select %and3A_647, %sub3A_649, %div3A_628 : i32
        %jit3A_651 = arith.constant 8 : i32
        %eq3A_652 = arith.constant 0 : i32
        %eq3A_653 = arith.cmpi eq, %jit3A_651, %eq3A_652 : i32
        %jit3A_654 = arith.constant 1 : i32
        %select_n3A_655 = arith.select %eq3A_653, %jit3A_654, %jit3A_651 : i32
        %rem3A_656 = arith.remsi %select_n3A_626, %select_n3A_655 : i32
        %ne3A_657 = arith.constant 0 : i32
        %ne3A_658 = arith.cmpi ne, %rem3A_656, %ne3A_657 : i32
        %lt3A_659 = arith.constant 0 : i32
        %lt3A_660 = arith.cmpi slt, %rem3A_656, %lt3A_659 : i32
        %lt3A_661 = arith.constant 0 : i32
        %lt3A_662 = arith.cmpi slt, %select_n3A_655, %lt3A_661 : i32
        %ne3A_663 = arith.xori %lt3A_660, %lt3A_662 : i1
        %and3A_664 = arith.andi %ne3A_663, %ne3A_658 : i1
        %add3A_665 = arith.addi %rem3A_656, %select_n3A_655 : i32
        %select_n3A_666 = arith.select %and3A_664, %add3A_665, %rem3A_656 : i32
        %mul3A_667 = arith.constant 8125 : i32
        %mul3A_668 = arith.muli %select_n3A_650, %mul3A_667 : i32
        %mul3A_669 = arith.constant 312 : i32
        %mul3A_670 = arith.muli %mul3A_669, %select_n3A_610 : i32
        %add3A_671 = arith.addi %mul3A_668, %mul3A_670 : i32
        %jit3A_672 = arith.constant 2 : i32
        %div3A_673 = arith.divsi %select_n3A_610, %jit3A_672 : i32
        %sign3A_674 = arith.constant 0 : i32
        %sign3A_675 = arith.cmpi sgt, %select_n3A_610, %sign3A_674 : i32
        %sign3A_676 = arith.extui %sign3A_675 : i1 to i32
        %sign3A_677 = arith.constant 0 : i32
        %sign3A_678 = arith.cmpi slt, %select_n3A_610, %sign3A_677 : i32
        %sign3A_679 = arith.extui %sign3A_678 : i1 to i32
        %sign3A_680 = arith.subi %sign3A_676, %sign3A_679 : i32
        %sign3A_681 = arith.constant 0 : i32
        %sign3A_682 = arith.cmpi sgt, %jit3A_672, %sign3A_681 : i32
        %sign3A_683 = arith.extui %sign3A_682 : i1 to i32
        %sign3A_684 = arith.constant 0 : i32
        %sign3A_685 = arith.cmpi slt, %jit3A_672, %sign3A_684 : i32
        %sign3A_686 = arith.extui %sign3A_685 : i1 to i32
        %sign3A_687 = arith.subi %sign3A_683, %sign3A_686 : i32
        %ne3A_688 = arith.cmpi ne, %sign3A_680, %sign3A_687 : i32
        %rem3A_689 = arith.remsi %select_n3A_610, %jit3A_672 : i32
        %ne3A_690 = arith.constant 0 : i32
        %ne3A_691 = arith.cmpi ne, %rem3A_689, %ne3A_690 : i32
        %and3A_692 = arith.andi %ne3A_688, %ne3A_691 : i1
        %sub3A_693 = arith.constant 1 : i32
        %sub3A_694 = arith.subi %div3A_673, %sub3A_693 : i32
        %select_n3A_695 = arith.select %and3A_692, %sub3A_694, %div3A_673 : i32
        %add3A_696 = arith.addi %add3A_671, %select_n3A_695 : i32
        %mul3A_697 = arith.constant 128 : i32
        %mul3A_698 = arith.muli %select_n3A_666, %mul3A_697 : i32
        %dma_wait3A_699 = arith.constant 0 : i32
        %dma_wait3A_700 = arith.constant 0 : i32
        %dma_wait3A_701 = arith.constant 0 : i32
        %dma_wait3A_702 = tpu.memref_slice %arg5[%dma_wait3A_699, %dma_wait3A_700, %dma_wait3A_701] : memref<2x313x128xf32, #tpu.memory_space<vmem>> -> memref<1x313x128xf32, #tpu.memory_space<vmem>>
        %dma_wait3A_703 = tpu.memref_squeeze %dma_wait3A_702 : memref<1x313x128xf32, #tpu.memory_space<vmem>> -> memref<313x128xf32, #tpu.memory_space<vmem>>
        %dma_wait3A_704 = tpu.memref_slice %arg3[%add3A_696, %mul3A_698] : memref<16250x1024xf32, #tpu.memory_space<hbm>> -> memref<313x128xf32, #tpu.memory_space<hbm>>
        %dma_wait3A_705 = arith.constant 0 : i32
        %dma_wait3A_706 = arith.constant 0 : i32
        %dma_wait3A_707 = tpu.memref_slice %arg5[%dma_wait3A_699, %dma_wait3A_705, %dma_wait3A_706] : memref<2x313x128xf32, #tpu.memory_space<vmem>> -> memref<1x313x128xf32, #tpu.memory_space<vmem>>
        %dma_wait3A_708 = tpu.memref_squeeze %dma_wait3A_707 : memref<1x313x128xf32, #tpu.memory_space<vmem>> -> memref<313x128xf32, #tpu.memory_space<vmem>>
        %dma_wait3A_709 = tpu.memref_slice %arg3[%add3A_696, %mul3A_698] : memref<16250x1024xf32, #tpu.memory_space<hbm>> -> memref<313x128xf32, #tpu.memory_space<hbm>>
        tpu.wait_dma2 semaphore(%arg8 : memref<!tpu.dma_semaphore, #tpu.memory_space<semaphore_mem>>) src(%dma_wait3A_709 : memref<313x128xf32, #tpu.memory_space<hbm>>) dst(%dma_wait3A_708 : memref<313x128xf32, #tpu.memory_space<vmem>>)
      } else {
      }
      %eq3A_548 = arith.constant 1 : i32
      %eq3A_549 = arith.cmpi eq, %select_n3A_533, %eq3A_548 : i32
      %convert_element_type3A_550 = arith.extui %eq3A_549 : i1 to i32
      %cond3A_551 = arith.constant 0 : i32
      %cond3A_552 = arith.cmpi ne, %convert_element_type3A_550, %cond3A_551 : i32
      scf.if %cond3A_552 {
        %jit3A_587 = arith.constant 16 : i32
        %div3A_588 = arith.divsi %add3A_407, %jit3A_587 : i32
        %sign3A_589 = arith.constant 0 : i32
        %sign3A_590 = arith.cmpi sgt, %add3A_407, %sign3A_589 : i32
        %sign3A_591 = arith.extui %sign3A_590 : i1 to i32
        %sign3A_592 = arith.constant 0 : i32
        %sign3A_593 = arith.cmpi slt, %add3A_407, %sign3A_592 : i32
        %sign3A_594 = arith.extui %sign3A_593 : i1 to i32
        %sign3A_595 = arith.subi %sign3A_591, %sign3A_594 : i32
        %sign3A_596 = arith.constant 0 : i32
        %sign3A_597 = arith.cmpi sgt, %jit3A_587, %sign3A_596 : i32
        %sign3A_598 = arith.extui %sign3A_597 : i1 to i32
        %sign3A_599 = arith.constant 0 : i32
        %sign3A_600 = arith.cmpi slt, %jit3A_587, %sign3A_599 : i32
        %sign3A_601 = arith.extui %sign3A_600 : i1 to i32
        %sign3A_602 = arith.subi %sign3A_598, %sign3A_601 : i32
        %ne3A_603 = arith.cmpi ne, %sign3A_595, %sign3A_602 : i32
        %rem3A_604 = arith.remsi %add3A_407, %jit3A_587 : i32
        %ne3A_605 = arith.constant 0 : i32
        %ne3A_606 = arith.cmpi ne, %rem3A_604, %ne3A_605 : i32
        %and3A_607 = arith.andi %ne3A_603, %ne3A_606 : i1
        %sub3A_608 = arith.constant 1 : i32
        %sub3A_609 = arith.subi %div3A_588, %sub3A_608 : i32
        %select_n3A_610 = arith.select %and3A_607, %sub3A_609, %div3A_588 : i32
        %jit3A_611 = arith.constant 16 : i32
        %eq3A_612 = arith.constant 0 : i32
        %eq3A_613 = arith.cmpi eq, %jit3A_611, %eq3A_612 : i32
        %jit3A_614 = arith.constant 1 : i32
        %select_n3A_615 = arith.select %eq3A_613, %jit3A_614, %jit3A_611 : i32
        %rem3A_616 = arith.remsi %add3A_407, %select_n3A_615 : i32
        %ne3A_617 = arith.constant 0 : i32
        %ne3A_618 = arith.cmpi ne, %rem3A_616, %ne3A_617 : i32
        %lt3A_619 = arith.constant 0 : i32
        %lt3A_620 = arith.cmpi slt, %rem3A_616, %lt3A_619 : i32
        %lt3A_621 = arith.constant 0 : i32
        %lt3A_622 = arith.cmpi slt, %select_n3A_615, %lt3A_621 : i32
        %ne3A_623 = arith.xori %lt3A_620, %lt3A_622 : i1
        %and3A_624 = arith.andi %ne3A_623, %ne3A_618 : i1
        %add3A_625 = arith.addi %rem3A_616, %select_n3A_615 : i32
        %select_n3A_626 = arith.select %and3A_624, %add3A_625, %rem3A_616 : i32
        %jit3A_627 = arith.constant 8 : i32
        %div3A_628 = arith.divsi %select_n3A_626, %jit3A_627 : i32
        %sign3A_629 = arith.constant 0 : i32
        %sign3A_630 = arith.cmpi sgt, %select_n3A_626, %sign3A_629 : i32
        %sign3A_631 = arith.extui %sign3A_630 : i1 to i32
        %sign3A_632 = arith.constant 0 : i32
        %sign3A_633 = arith.cmpi slt, %select_n3A_626, %sign3A_632 : i32
        %sign3A_634 = arith.extui %sign3A_633 : i1 to i32
        %sign3A_635 = arith.subi %sign3A_631, %sign3A_634 : i32
        %sign3A_636 = arith.constant 0 : i32
        %sign3A_637 = arith.cmpi sgt, %jit3A_627, %sign3A_636 : i32
        %sign3A_638 = arith.extui %sign3A_637 : i1 to i32
        %sign3A_639 = arith.constant 0 : i32
        %sign3A_640 = arith.cmpi slt, %jit3A_627, %sign3A_639 : i32
        %sign3A_641 = arith.extui %sign3A_640 : i1 to i32
        %sign3A_642 = arith.subi %sign3A_638, %sign3A_641 : i32
        %ne3A_643 = arith.cmpi ne, %sign3A_635, %sign3A_642 : i32
        %rem3A_644 = arith.remsi %select_n3A_626, %jit3A_627 : i32
        %ne3A_645 = arith.constant 0 : i32
        %ne3A_646 = arith.cmpi ne, %rem3A_644, %ne3A_645 : i32
        %and3A_647 = arith.andi %ne3A_643, %ne3A_646 : i1
        %sub3A_648 = arith.constant 1 : i32
        %sub3A_649 = arith.subi %div3A_628, %sub3A_648 : i32
        %select_n3A_650 = arith.select %and3A_647, %sub3A_649, %div3A_628 : i32
        %jit3A_651 = arith.constant 8 : i32
        %eq3A_652 = arith.constant 0 : i32
        %eq3A_653 = arith.cmpi eq, %jit3A_651, %eq3A_652 : i32
        %jit3A_654 = arith.constant 1 : i32
        %select_n3A_655 = arith.select %eq3A_653, %jit3A_654, %jit3A_651 : i32
        %rem3A_656 = arith.remsi %select_n3A_626, %select_n3A_655 : i32
        %ne3A_657 = arith.constant 0 : i32
        %ne3A_658 = arith.cmpi ne, %rem3A_656, %ne3A_657 : i32
        %lt3A_659 = arith.constant 0 : i32
        %lt3A_660 = arith.cmpi slt, %rem3A_656, %lt3A_659 : i32
        %lt3A_661 = arith.constant 0 : i32
        %lt3A_662 = arith.cmpi slt, %select_n3A_655, %lt3A_661 : i32
        %ne3A_663 = arith.xori %lt3A_660, %lt3A_662 : i1
        %and3A_664 = arith.andi %ne3A_663, %ne3A_658 : i1
        %add3A_665 = arith.addi %rem3A_656, %select_n3A_655 : i32
        %select_n3A_666 = arith.select %and3A_664, %add3A_665, %rem3A_656 : i32
        %mul3A_667 = arith.constant 8125 : i32
        %mul3A_668 = arith.muli %select_n3A_650, %mul3A_667 : i32
        %mul3A_669 = arith.constant 312 : i32
        %mul3A_670 = arith.muli %mul3A_669, %select_n3A_610 : i32
        %add3A_671 = arith.addi %mul3A_668, %mul3A_670 : i32
        %jit3A_672 = arith.constant 2 : i32
        %div3A_673 = arith.divsi %select_n3A_610, %jit3A_672 : i32
        %sign3A_674 = arith.constant 0 : i32
        %sign3A_675 = arith.cmpi sgt, %select_n3A_610, %sign3A_674 : i32
        %sign3A_676 = arith.extui %sign3A_675 : i1 to i32
        %sign3A_677 = arith.constant 0 : i32
        %sign3A_678 = arith.cmpi slt, %select_n3A_610, %sign3A_677 : i32
        %sign3A_679 = arith.extui %sign3A_678 : i1 to i32
        %sign3A_680 = arith.subi %sign3A_676, %sign3A_679 : i32
        %sign3A_681 = arith.constant 0 : i32
        %sign3A_682 = arith.cmpi sgt, %jit3A_672, %sign3A_681 : i32
        %sign3A_683 = arith.extui %sign3A_682 : i1 to i32
        %sign3A_684 = arith.constant 0 : i32
        %sign3A_685 = arith.cmpi slt, %jit3A_672, %sign3A_684 : i32
        %sign3A_686 = arith.extui %sign3A_685 : i1 to i32
        %sign3A_687 = arith.subi %sign3A_683, %sign3A_686 : i32
        %ne3A_688 = arith.cmpi ne, %sign3A_680, %sign3A_687 : i32
        %rem3A_689 = arith.remsi %select_n3A_610, %jit3A_672 : i32
        %ne3A_690 = arith.constant 0 : i32
        %ne3A_691 = arith.cmpi ne, %rem3A_689, %ne3A_690 : i32
        %and3A_692 = arith.andi %ne3A_688, %ne3A_691 : i1
        %sub3A_693 = arith.constant 1 : i32
        %sub3A_694 = arith.subi %div3A_673, %sub3A_693 : i32
        %select_n3A_695 = arith.select %and3A_692, %sub3A_694, %div3A_673 : i32
        %add3A_696 = arith.addi %add3A_671, %select_n3A_695 : i32
        %mul3A_697 = arith.constant 128 : i32
        %mul3A_698 = arith.muli %select_n3A_666, %mul3A_697 : i32
        %dma_wait3A_699 = arith.constant 1 : i32
        %dma_wait3A_700 = arith.constant 0 : i32
        %dma_wait3A_701 = arith.constant 0 : i32
        %dma_wait3A_702 = tpu.memref_slice %arg5[%dma_wait3A_699, %dma_wait3A_700, %dma_wait3A_701] : memref<2x313x128xf32, #tpu.memory_space<vmem>> -> memref<1x313x128xf32, #tpu.memory_space<vmem>>
        %dma_wait3A_703 = tpu.memref_squeeze %dma_wait3A_702 : memref<1x313x128xf32, #tpu.memory_space<vmem>> -> memref<313x128xf32, #tpu.memory_space<vmem>>
        %dma_wait3A_704 = tpu.memref_slice %arg3[%add3A_696, %mul3A_698] : memref<16250x1024xf32, #tpu.memory_space<hbm>> -> memref<313x128xf32, #tpu.memory_space<hbm>>
        %dma_wait3A_705 = arith.constant 0 : i32
        %dma_wait3A_706 = arith.constant 0 : i32
        %dma_wait3A_707 = tpu.memref_slice %arg5[%dma_wait3A_699, %dma_wait3A_705, %dma_wait3A_706] : memref<2x313x128xf32, #tpu.memory_space<vmem>> -> memref<1x313x128xf32, #tpu.memory_space<vmem>>
        %dma_wait3A_708 = tpu.memref_squeeze %dma_wait3A_707 : memref<1x313x128xf32, #tpu.memory_space<vmem>> -> memref<313x128xf32, #tpu.memory_space<vmem>>
        %dma_wait3A_709 = tpu.memref_slice %arg3[%add3A_696, %mul3A_698] : memref<16250x1024xf32, #tpu.memory_space<hbm>> -> memref<313x128xf32, #tpu.memory_space<hbm>>
        tpu.wait_dma2 semaphore(%arg9 : memref<!tpu.dma_semaphore, #tpu.memory_space<semaphore_mem>>) src(%dma_wait3A_709 : memref<313x128xf32, #tpu.memory_space<hbm>>) dst(%dma_wait3A_708 : memref<313x128xf32, #tpu.memory_space<vmem>>)
      } else {
      }
      %ge3A = arith.constant 2 : i32
      %ge3A_553 = arith.cmpi sge, %scan3A_405, %ge3A : i32
      %convert_element_type3A_554 = arith.extui %ge3A_553 : i1 to i32
      %cond3A_555 = arith.constant 0 : i32
      %cond3A_556 = arith.cmpi ne, %convert_element_type3A_554, %cond3A_555 : i32
      scf.if %cond3A_556 {
        %eq3A_587 = arith.constant 0 : i32
        %eq3A_588 = arith.cmpi eq, %select_n3A_533, %eq3A_587 : i32
        %convert_element_type3A_589 = arith.extui %eq3A_588 : i1 to i32
        %cond3A_590 = arith.constant 0 : i32
        %cond3A_591 = arith.cmpi ne, %convert_element_type3A_589, %cond3A_590 : i32
        scf.if %cond3A_591 {
          %jit3A_597 = arith.constant 16 : i32
          %div3A_598 = arith.divsi %add3A_407, %jit3A_597 : i32
          %sign3A_599 = arith.constant 0 : i32
          %sign3A_600 = arith.cmpi sgt, %add3A_407, %sign3A_599 : i32
          %sign3A_601 = arith.extui %sign3A_600 : i1 to i32
          %sign3A_602 = arith.constant 0 : i32
          %sign3A_603 = arith.cmpi slt, %add3A_407, %sign3A_602 : i32
          %sign3A_604 = arith.extui %sign3A_603 : i1 to i32
          %sign3A_605 = arith.subi %sign3A_601, %sign3A_604 : i32
          %sign3A_606 = arith.constant 0 : i32
          %sign3A_607 = arith.cmpi sgt, %jit3A_597, %sign3A_606 : i32
          %sign3A_608 = arith.extui %sign3A_607 : i1 to i32
          %sign3A_609 = arith.constant 0 : i32
          %sign3A_610 = arith.cmpi slt, %jit3A_597, %sign3A_609 : i32
          %sign3A_611 = arith.extui %sign3A_610 : i1 to i32
          %sign3A_612 = arith.subi %sign3A_608, %sign3A_611 : i32
          %ne3A_613 = arith.cmpi ne, %sign3A_605, %sign3A_612 : i32
          %rem3A_614 = arith.remsi %add3A_407, %jit3A_597 : i32
          %ne3A_615 = arith.constant 0 : i32
          %ne3A_616 = arith.cmpi ne, %rem3A_614, %ne3A_615 : i32
          %and3A_617 = arith.andi %ne3A_613, %ne3A_616 : i1
          %sub3A_618 = arith.constant 1 : i32
          %sub3A_619 = arith.subi %div3A_598, %sub3A_618 : i32
          %select_n3A_620 = arith.select %and3A_617, %sub3A_619, %div3A_598 : i32
          %jit3A_621 = arith.constant 16 : i32
          %eq3A_622 = arith.constant 0 : i32
          %eq3A_623 = arith.cmpi eq, %jit3A_621, %eq3A_622 : i32
          %jit3A_624 = arith.constant 1 : i32
          %select_n3A_625 = arith.select %eq3A_623, %jit3A_624, %jit3A_621 : i32
          %rem3A_626 = arith.remsi %add3A_407, %select_n3A_625 : i32
          %ne3A_627 = arith.constant 0 : i32
          %ne3A_628 = arith.cmpi ne, %rem3A_626, %ne3A_627 : i32
          %lt3A_629 = arith.constant 0 : i32
          %lt3A_630 = arith.cmpi slt, %rem3A_626, %lt3A_629 : i32
          %lt3A_631 = arith.constant 0 : i32
          %lt3A_632 = arith.cmpi slt, %select_n3A_625, %lt3A_631 : i32
          %ne3A_633 = arith.xori %lt3A_630, %lt3A_632 : i1
          %and3A_634 = arith.andi %ne3A_633, %ne3A_628 : i1
          %add3A_635 = arith.addi %rem3A_626, %select_n3A_625 : i32
          %select_n3A_636 = arith.select %and3A_634, %add3A_635, %rem3A_626 : i32
          %jit3A_637 = arith.constant 8 : i32
          %div3A_638 = arith.divsi %select_n3A_636, %jit3A_637 : i32
          %sign3A_639 = arith.constant 0 : i32
          %sign3A_640 = arith.cmpi sgt, %select_n3A_636, %sign3A_639 : i32
          %sign3A_641 = arith.extui %sign3A_640 : i1 to i32
          %sign3A_642 = arith.constant 0 : i32
          %sign3A_643 = arith.cmpi slt, %select_n3A_636, %sign3A_642 : i32
          %sign3A_644 = arith.extui %sign3A_643 : i1 to i32
          %sign3A_645 = arith.subi %sign3A_641, %sign3A_644 : i32
          %sign3A_646 = arith.constant 0 : i32
          %sign3A_647 = arith.cmpi sgt, %jit3A_637, %sign3A_646 : i32
          %sign3A_648 = arith.extui %sign3A_647 : i1 to i32
          %sign3A_649 = arith.constant 0 : i32
          %sign3A_650 = arith.cmpi slt, %jit3A_637, %sign3A_649 : i32
          %sign3A_651 = arith.extui %sign3A_650 : i1 to i32
          %sign3A_652 = arith.subi %sign3A_648, %sign3A_651 : i32
          %ne3A_653 = arith.cmpi ne, %sign3A_645, %sign3A_652 : i32
          %rem3A_654 = arith.remsi %select_n3A_636, %jit3A_637 : i32
          %ne3A_655 = arith.constant 0 : i32
          %ne3A_656 = arith.cmpi ne, %rem3A_654, %ne3A_655 : i32
          %and3A_657 = arith.andi %ne3A_653, %ne3A_656 : i1
          %sub3A_658 = arith.constant 1 : i32
          %sub3A_659 = arith.subi %div3A_638, %sub3A_658 : i32
          %select_n3A_660 = arith.select %and3A_657, %sub3A_659, %div3A_638 : i32
          %jit3A_661 = arith.constant 8 : i32
          %eq3A_662 = arith.constant 0 : i32
          %eq3A_663 = arith.cmpi eq, %jit3A_661, %eq3A_662 : i32
          %jit3A_664 = arith.constant 1 : i32
          %select_n3A_665 = arith.select %eq3A_663, %jit3A_664, %jit3A_661 : i32
          %rem3A_666 = arith.remsi %select_n3A_636, %select_n3A_665 : i32
          %ne3A_667 = arith.constant 0 : i32
          %ne3A_668 = arith.cmpi ne, %rem3A_666, %ne3A_667 : i32
          %lt3A_669 = arith.constant 0 : i32
          %lt3A_670 = arith.cmpi slt, %rem3A_666, %lt3A_669 : i32
          %lt3A_671 = arith.constant 0 : i32
          %lt3A_672 = arith.cmpi slt, %select_n3A_665, %lt3A_671 : i32
          %ne3A_673 = arith.xori %lt3A_670, %lt3A_672 : i1
          %and3A_674 = arith.andi %ne3A_673, %ne3A_668 : i1
          %add3A_675 = arith.addi %rem3A_666, %select_n3A_665 : i32
          %select_n3A_676 = arith.select %and3A_674, %add3A_675, %rem3A_666 : i32
          %mul3A_677 = arith.constant 8125 : i32
          %mul3A_678 = arith.muli %select_n3A_660, %mul3A_677 : i32
          %mul3A_679 = arith.constant 312 : i32
          %mul3A_680 = arith.muli %mul3A_679, %select_n3A_620 : i32
          %add3A_681 = arith.addi %mul3A_678, %mul3A_680 : i32
          %jit3A_682 = arith.constant 2 : i32
          %div3A_683 = arith.divsi %select_n3A_620, %jit3A_682 : i32
          %sign3A_684 = arith.constant 0 : i32
          %sign3A_685 = arith.cmpi sgt, %select_n3A_620, %sign3A_684 : i32
          %sign3A_686 = arith.extui %sign3A_685 : i1 to i32
          %sign3A_687 = arith.constant 0 : i32
          %sign3A_688 = arith.cmpi slt, %select_n3A_620, %sign3A_687 : i32
          %sign3A_689 = arith.extui %sign3A_688 : i1 to i32
          %sign3A_690 = arith.subi %sign3A_686, %sign3A_689 : i32
          %sign3A_691 = arith.constant 0 : i32
          %sign3A_692 = arith.cmpi sgt, %jit3A_682, %sign3A_691 : i32
          %sign3A_693 = arith.extui %sign3A_692 : i1 to i32
          %sign3A_694 = arith.constant 0 : i32
          %sign3A_695 = arith.cmpi slt, %jit3A_682, %sign3A_694 : i32
          %sign3A_696 = arith.extui %sign3A_695 : i1 to i32
          %sign3A_697 = arith.subi %sign3A_693, %sign3A_696 : i32
          %ne3A_698 = arith.cmpi ne, %sign3A_690, %sign3A_697 : i32
          %rem3A_699 = arith.remsi %select_n3A_620, %jit3A_682 : i32
          %ne3A_700 = arith.constant 0 : i32
          %ne3A_701 = arith.cmpi ne, %rem3A_699, %ne3A_700 : i32
          %and3A_702 = arith.andi %ne3A_698, %ne3A_701 : i1
          %sub3A_703 = arith.constant 1 : i32
          %sub3A_704 = arith.subi %div3A_683, %sub3A_703 : i32
          %select_n3A_705 = arith.select %and3A_702, %sub3A_704, %div3A_683 : i32
          %add3A_706 = arith.addi %add3A_681, %select_n3A_705 : i32
          %mul3A_707 = arith.constant 2 : i32
          %mul3A_708 = arith.muli %select_n3A_620, %mul3A_707 : i32
          %add3A_709 = arith.addi %mul3A_708, %select_n3A_660 : i32
          %mul3A_710 = arith.constant 128 : i32
          %mul3A_711 = arith.muli %add3A_709, %mul3A_710 : i32
          %mul3A_712 = arith.constant 128 : i32
          %mul3A_713 = arith.muli %select_n3A_676, %mul3A_712 : i32
          %dma_wait3A_714 = arith.constant 0 : i32
          %dma_wait3A_715 = arith.constant 0 : i32
          %dma_wait3A_716 = arith.constant 0 : i32
          %dma_wait3A_717 = tpu.memref_slice %arg7[%dma_wait3A_714, %dma_wait3A_715, %dma_wait3A_716] : memref<2x128x128xf32, #tpu.memory_space<vmem>> -> memref<1x128x128xf32, #tpu.memory_space<vmem>>
          %dma_wait3A_718 = tpu.memref_squeeze %dma_wait3A_717 : memref<1x128x128xf32, #tpu.memory_space<vmem>> -> memref<128x128xf32, #tpu.memory_space<vmem>>
          %dma_wait3A_719 = tpu.memref_slice %arg4[%mul3A_711, %mul3A_713] : memref<6656x1024xf32, #tpu.memory_space<hbm>> -> memref<128x128xf32, #tpu.memory_space<hbm>>
          %dma_wait3A_720 = tpu.memref_slice %arg4[%mul3A_711, %mul3A_713] : memref<6656x1024xf32, #tpu.memory_space<hbm>> -> memref<128x128xf32, #tpu.memory_space<hbm>>
          %dma_wait3A_721 = arith.constant 0 : i32
          %dma_wait3A_722 = arith.constant 0 : i32
          %dma_wait3A_723 = tpu.memref_slice %arg7[%dma_wait3A_714, %dma_wait3A_721, %dma_wait3A_722] : memref<2x128x128xf32, #tpu.memory_space<vmem>> -> memref<1x128x128xf32, #tpu.memory_space<vmem>>
          %dma_wait3A_724 = tpu.memref_squeeze %dma_wait3A_723 : memref<1x128x128xf32, #tpu.memory_space<vmem>> -> memref<128x128xf32, #tpu.memory_space<vmem>>
          tpu.wait_dma2 semaphore(%arg10 : memref<!tpu.dma_semaphore, #tpu.memory_space<semaphore_mem>>) src(%dma_wait3A_724 : memref<128x128xf32, #tpu.memory_space<vmem>>) dst(%dma_wait3A_720 : memref<128x128xf32, #tpu.memory_space<hbm>>)
        } else {
        }
        %eq3A_592 = arith.constant 1 : i32
        %eq3A_593 = arith.cmpi eq, %select_n3A_533, %eq3A_592 : i32
        %convert_element_type3A_594 = arith.extui %eq3A_593 : i1 to i32
        %cond3A_595 = arith.constant 0 : i32
        %cond3A_596 = arith.cmpi ne, %convert_element_type3A_594, %cond3A_595 : i32
        scf.if %cond3A_596 {
          %jit3A_597 = arith.constant 16 : i32
          %div3A_598 = arith.divsi %add3A_407, %jit3A_597 : i32
          %sign3A_599 = arith.constant 0 : i32
          %sign3A_600 = arith.cmpi sgt, %add3A_407, %sign3A_599 : i32
          %sign3A_601 = arith.extui %sign3A_600 : i1 to i32
          %sign3A_602 = arith.constant 0 : i32
          %sign3A_603 = arith.cmpi slt, %add3A_407, %sign3A_602 : i32
          %sign3A_604 = arith.extui %sign3A_603 : i1 to i32
          %sign3A_605 = arith.subi %sign3A_601, %sign3A_604 : i32
          %sign3A_606 = arith.constant 0 : i32
          %sign3A_607 = arith.cmpi sgt, %jit3A_597, %sign3A_606 : i32
          %sign3A_608 = arith.extui %sign3A_607 : i1 to i32
          %sign3A_609 = arith.constant 0 : i32
          %sign3A_610 = arith.cmpi slt, %jit3A_597, %sign3A_609 : i32
          %sign3A_611 = arith.extui %sign3A_610 : i1 to i32
          %sign3A_612 = arith.subi %sign3A_608, %sign3A_611 : i32
          %ne3A_613 = arith.cmpi ne, %sign3A_605, %sign3A_612 : i32
          %rem3A_614 = arith.remsi %add3A_407, %jit3A_597 : i32
          %ne3A_615 = arith.constant 0 : i32
          %ne3A_616 = arith.cmpi ne, %rem3A_614, %ne3A_615 : i32
          %and3A_617 = arith.andi %ne3A_613, %ne3A_616 : i1
          %sub3A_618 = arith.constant 1 : i32
          %sub3A_619 = arith.subi %div3A_598, %sub3A_618 : i32
          %select_n3A_620 = arith.select %and3A_617, %sub3A_619, %div3A_598 : i32
          %jit3A_621 = arith.constant 16 : i32
          %eq3A_622 = arith.constant 0 : i32
          %eq3A_623 = arith.cmpi eq, %jit3A_621, %eq3A_622 : i32
          %jit3A_624 = arith.constant 1 : i32
          %select_n3A_625 = arith.select %eq3A_623, %jit3A_624, %jit3A_621 : i32
          %rem3A_626 = arith.remsi %add3A_407, %select_n3A_625 : i32
          %ne3A_627 = arith.constant 0 : i32
          %ne3A_628 = arith.cmpi ne, %rem3A_626, %ne3A_627 : i32
          %lt3A_629 = arith.constant 0 : i32
          %lt3A_630 = arith.cmpi slt, %rem3A_626, %lt3A_629 : i32
          %lt3A_631 = arith.constant 0 : i32
          %lt3A_632 = arith.cmpi slt, %select_n3A_625, %lt3A_631 : i32
          %ne3A_633 = arith.xori %lt3A_630, %lt3A_632 : i1
          %and3A_634 = arith.andi %ne3A_633, %ne3A_628 : i1
          %add3A_635 = arith.addi %rem3A_626, %select_n3A_625 : i32
          %select_n3A_636 = arith.select %and3A_634, %add3A_635, %rem3A_626 : i32
          %jit3A_637 = arith.constant 8 : i32
          %div3A_638 = arith.divsi %select_n3A_636, %jit3A_637 : i32
          %sign3A_639 = arith.constant 0 : i32
          %sign3A_640 = arith.cmpi sgt, %select_n3A_636, %sign3A_639 : i32
          %sign3A_641 = arith.extui %sign3A_640 : i1 to i32
          %sign3A_642 = arith.constant 0 : i32
          %sign3A_643 = arith.cmpi slt, %select_n3A_636, %sign3A_642 : i32
          %sign3A_644 = arith.extui %sign3A_643 : i1 to i32
          %sign3A_645 = arith.subi %sign3A_641, %sign3A_644 : i32
          %sign3A_646 = arith.constant 0 : i32
          %sign3A_647 = arith.cmpi sgt, %jit3A_637, %sign3A_646 : i32
          %sign3A_648 = arith.extui %sign3A_647 : i1 to i32
          %sign3A_649 = arith.constant 0 : i32
          %sign3A_650 = arith.cmpi slt, %jit3A_637, %sign3A_649 : i32
          %sign3A_651 = arith.extui %sign3A_650 : i1 to i32
          %sign3A_652 = arith.subi %sign3A_648, %sign3A_651 : i32
          %ne3A_653 = arith.cmpi ne, %sign3A_645, %sign3A_652 : i32
          %rem3A_654 = arith.remsi %select_n3A_636, %jit3A_637 : i32
          %ne3A_655 = arith.constant 0 : i32
          %ne3A_656 = arith.cmpi ne, %rem3A_654, %ne3A_655 : i32
          %and3A_657 = arith.andi %ne3A_653, %ne3A_656 : i1
          %sub3A_658 = arith.constant 1 : i32
          %sub3A_659 = arith.subi %div3A_638, %sub3A_658 : i32
          %select_n3A_660 = arith.select %and3A_657, %sub3A_659, %div3A_638 : i32
          %jit3A_661 = arith.constant 8 : i32
          %eq3A_662 = arith.constant 0 : i32
          %eq3A_663 = arith.cmpi eq, %jit3A_661, %eq3A_662 : i32
          %jit3A_664 = arith.constant 1 : i32
          %select_n3A_665 = arith.select %eq3A_663, %jit3A_664, %jit3A_661 : i32
          %rem3A_666 = arith.remsi %select_n3A_636, %select_n3A_665 : i32
          %ne3A_667 = arith.constant 0 : i32
          %ne3A_668 = arith.cmpi ne, %rem3A_666, %ne3A_667 : i32
          %lt3A_669 = arith.constant 0 : i32
          %lt3A_670 = arith.cmpi slt, %rem3A_666, %lt3A_669 : i32
          %lt3A_671 = arith.constant 0 : i32
          %lt3A_672 = arith.cmpi slt, %select_n3A_665, %lt3A_671 : i32
          %ne3A_673 = arith.xori %lt3A_670, %lt3A_672 : i1
          %and3A_674 = arith.andi %ne3A_673, %ne3A_668 : i1
          %add3A_675 = arith.addi %rem3A_666, %select_n3A_665 : i32
          %select_n3A_676 = arith.select %and3A_674, %add3A_675, %rem3A_666 : i32
          %mul3A_677 = arith.constant 8125 : i32
          %mul3A_678 = arith.muli %select_n3A_660, %mul3A_677 : i32
          %mul3A_679 = arith.constant 312 : i32
          %mul3A_680 = arith.muli %mul3A_679, %select_n3A_620 : i32
          %add3A_681 = arith.addi %mul3A_678, %mul3A_680 : i32
          %jit3A_682 = arith.constant 2 : i32
          %div3A_683 = arith.divsi %select_n3A_620, %jit3A_682 : i32
          %sign3A_684 = arith.constant 0 : i32
          %sign3A_685 = arith.cmpi sgt, %select_n3A_620, %sign3A_684 : i32
          %sign3A_686 = arith.extui %sign3A_685 : i1 to i32
          %sign3A_687 = arith.constant 0 : i32
          %sign3A_688 = arith.cmpi slt, %select_n3A_620, %sign3A_687 : i32
          %sign3A_689 = arith.extui %sign3A_688 : i1 to i32
          %sign3A_690 = arith.subi %sign3A_686, %sign3A_689 : i32
          %sign3A_691 = arith.constant 0 : i32
          %sign3A_692 = arith.cmpi sgt, %jit3A_682, %sign3A_691 : i32
          %sign3A_693 = arith.extui %sign3A_692 : i1 to i32
          %sign3A_694 = arith.constant 0 : i32
          %sign3A_695 = arith.cmpi slt, %jit3A_682, %sign3A_694 : i32
          %sign3A_696 = arith.extui %sign3A_695 : i1 to i32
          %sign3A_697 = arith.subi %sign3A_693, %sign3A_696 : i32
          %ne3A_698 = arith.cmpi ne, %sign3A_690, %sign3A_697 : i32
          %rem3A_699 = arith.remsi %select_n3A_620, %jit3A_682 : i32
          %ne3A_700 = arith.constant 0 : i32
          %ne3A_701 = arith.cmpi ne, %rem3A_699, %ne3A_700 : i32
          %and3A_702 = arith.andi %ne3A_698, %ne3A_701 : i1
          %sub3A_703 = arith.constant 1 : i32
          %sub3A_704 = arith.subi %div3A_683, %sub3A_703 : i32
          %select_n3A_705 = arith.select %and3A_702, %sub3A_704, %div3A_683 : i32
          %add3A_706 = arith.addi %add3A_681, %select_n3A_705 : i32
          %mul3A_707 = arith.constant 2 : i32
          %mul3A_708 = arith.muli %select_n3A_620, %mul3A_707 : i32
          %add3A_709 = arith.addi %mul3A_708, %select_n3A_660 : i32
          %mul3A_710 = arith.constant 128 : i32
          %mul3A_711 = arith.muli %add3A_709, %mul3A_710 : i32
          %mul3A_712 = arith.constant 128 : i32
          %mul3A_713 = arith.muli %select_n3A_676, %mul3A_712 : i32
          %dma_wait3A_714 = arith.constant 1 : i32
          %dma_wait3A_715 = arith.constant 0 : i32
          %dma_wait3A_716 = arith.constant 0 : i32
          %dma_wait3A_717 = tpu.memref_slice %arg7[%dma_wait3A_714, %dma_wait3A_715, %dma_wait3A_716] : memref<2x128x128xf32, #tpu.memory_space<vmem>> -> memref<1x128x128xf32, #tpu.memory_space<vmem>>
          %dma_wait3A_718 = tpu.memref_squeeze %dma_wait3A_717 : memref<1x128x128xf32, #tpu.memory_space<vmem>> -> memref<128x128xf32, #tpu.memory_space<vmem>>
          %dma_wait3A_719 = tpu.memref_slice %arg4[%mul3A_711, %mul3A_713] : memref<6656x1024xf32, #tpu.memory_space<hbm>> -> memref<128x128xf32, #tpu.memory_space<hbm>>
          %dma_wait3A_720 = tpu.memref_slice %arg4[%mul3A_711, %mul3A_713] : memref<6656x1024xf32, #tpu.memory_space<hbm>> -> memref<128x128xf32, #tpu.memory_space<hbm>>
          %dma_wait3A_721 = arith.constant 0 : i32
          %dma_wait3A_722 = arith.constant 0 : i32
          %dma_wait3A_723 = tpu.memref_slice %arg7[%dma_wait3A_714, %dma_wait3A_721, %dma_wait3A_722] : memref<2x128x128xf32, #tpu.memory_space<vmem>> -> memref<1x128x128xf32, #tpu.memory_space<vmem>>
          %dma_wait3A_724 = tpu.memref_squeeze %dma_wait3A_723 : memref<1x128x128xf32, #tpu.memory_space<vmem>> -> memref<128x128xf32, #tpu.memory_space<vmem>>
          tpu.wait_dma2 semaphore(%arg11 : memref<!tpu.dma_semaphore, #tpu.memory_space<semaphore_mem>>) src(%dma_wait3A_724 : memref<128x128xf32, #tpu.memory_space<vmem>>) dst(%dma_wait3A_720 : memref<128x128xf32, #tpu.memory_space<hbm>>)
        } else {
        }
      } else {
      }
      %jit3A_557 = arith.constant 2 : i32
      %eq3A_558 = arith.constant 0 : i32
      %eq3A_559 = arith.cmpi eq, %jit3A_557, %eq3A_558 : i32
      %jit3A_560 = arith.constant 1 : i32
      %select_n3A_561 = arith.select %eq3A_559, %jit3A_560, %jit3A_557 : i32
      %rem3A_562 = arith.remsi %select_n3A_431, %select_n3A_561 : i32
      %ne3A_563 = arith.constant 0 : i32
      %ne3A_564 = arith.cmpi ne, %rem3A_562, %ne3A_563 : i32
      %lt3A_565 = arith.constant 0 : i32
      %lt3A_566 = arith.cmpi slt, %rem3A_562, %lt3A_565 : i32
      %lt3A_567 = arith.constant 0 : i32
      %lt3A_568 = arith.cmpi slt, %select_n3A_561, %lt3A_567 : i32
      %ne3A_569 = arith.xori %lt3A_566, %lt3A_568 : i1
      %and3A_570 = arith.andi %ne3A_569, %ne3A_564 : i1
      %add3A_571 = arith.addi %rem3A_562, %select_n3A_561 : i32
      %select_n3A_572 = arith.select %and3A_570, %add3A_571, %rem3A_562 : i32
      %mul3A_573 = arith.constant 64 : i32
      %mul3A_574 = arith.muli %select_n3A_572, %mul3A_573 : i32
      %parallel_loop3A = arith.constant 0 : i32
      %parallel_loop3A_575 = arith.constant 1024 : i32
      %parallel_loop3A_576 = arith.constant 1 : i32
      scf.for %parallel_loop3A_587 = %parallel_loop3A to %parallel_loop3A_575 step %parallel_loop3A_576  : i32 {
        %parallel_loop3A_588 = arith.constant 16 : i32
        %parallel_loop3A_589 = arith.muli %parallel_loop3A_587, %parallel_loop3A_588 : i32
        %parallel_loop3A_590 = arith.index_cast %parallel_loop3A_589 : i32 to index
        %parallel_loop3A_591 = tpu.vector_load %arg6[%parallel_loop3A_590] {strides = array<i32>} : memref<16384xi32, #tpu.memory_space<vmem>>, vector<16xi32>,
        %parallel_loop3A_592 = vector.broadcast %mul3A_574 : i32 to vector<16xi32>
        %parallel_loop3A_593 = arith.addi %parallel_loop3A_591, %parallel_loop3A_592 : vector<16xi32>
        %parallel_loop3A_594 = arith.constant 7 : i32
        %parallel_loop3A_595 = vector.broadcast %parallel_loop3A_594 : i32 to vector<16xi32>
        %parallel_loop3A_596 = arith.shrsi %parallel_loop3A_593, %parallel_loop3A_595 : vector<16xi32>
        %parallel_loop3A_597 = arith.constant 127 : i32
        %parallel_loop3A_598 = vector.broadcast %parallel_loop3A_597 : i32 to vector<16xi32>
        %parallel_loop3A_599 = arith.andi %parallel_loop3A_593, %parallel_loop3A_598 : vector<16xi32>
        %parallel_loop3A_600 = arith.constant 0 : i32
        %parallel_loop3A_601 = arith.constant 0 : i32
        %parallel_loop3A_602 = tpu.memref_slice %arg5[%select_n3A_533, %parallel_loop3A_600, %parallel_loop3A_601] : memref<2x313x128xf32, #tpu.memory_space<vmem>> -> memref<1x313x128xf32, #tpu.memory_space<vmem>>
        %parallel_loop3A_603 = tpu.memref_squeeze %parallel_loop3A_602 : memref<1x313x128xf32, #tpu.memory_space<vmem>> -> memref<313x128xf32, #tpu.memory_space<vmem>>
        %parallel_loop3A_604 = tpu.vector_load_idx %parallel_loop3A_603[%parallel_loop3A_596, %parallel_loop3A_599] : memref<313x128xf32, #tpu.memory_space<vmem>>[vector<16xi32>, vector<16xi32>], vector<16xf32>,
        %parallel_loop3A_605 = arith.constant 8 : i32
        %parallel_loop3A_606 = arith.divsi %parallel_loop3A_587, %parallel_loop3A_605 : i32
        %parallel_loop3A_607 = arith.constant 0 : i32
        %parallel_loop3A_608 = arith.cmpi sgt, %parallel_loop3A_587, %parallel_loop3A_607 : i32
        %parallel_loop3A_609 = arith.extui %parallel_loop3A_608 : i1 to i32
        %parallel_loop3A_610 = arith.constant 0 : i32
        %parallel_loop3A_611 = arith.cmpi slt, %parallel_loop3A_587, %parallel_loop3A_610 : i32
        %parallel_loop3A_612 = arith.extui %parallel_loop3A_611 : i1 to i32
        %parallel_loop3A_613 = arith.subi %parallel_loop3A_609, %parallel_loop3A_612 : i32
        %parallel_loop3A_614 = arith.constant 0 : i32
        %parallel_loop3A_615 = arith.cmpi sgt, %parallel_loop3A_605, %parallel_loop3A_614 : i32
        %parallel_loop3A_616 = arith.extui %parallel_loop3A_615 : i1 to i32
        %parallel_loop3A_617 = arith.constant 0 : i32
        %parallel_loop3A_618 = arith.cmpi slt, %parallel_loop3A_605, %parallel_loop3A_617 : i32
        %parallel_loop3A_619 = arith.extui %parallel_loop3A_618 : i1 to i32
        %parallel_loop3A_620 = arith.subi %parallel_loop3A_616, %parallel_loop3A_619 : i32
        %parallel_loop3A_621 = arith.cmpi ne, %parallel_loop3A_613, %parallel_loop3A_620 : i32
        %parallel_loop3A_622 = arith.remsi %parallel_loop3A_587, %parallel_loop3A_605 : i32
        %parallel_loop3A_623 = arith.constant 0 : i32
        %parallel_loop3A_624 = arith.cmpi ne, %parallel_loop3A_622, %parallel_loop3A_623 : i32
        %parallel_loop3A_625 = arith.andi %parallel_loop3A_621, %parallel_loop3A_624 : i1
        %parallel_loop3A_626 = arith.constant 1 : i32
        %parallel_loop3A_627 = arith.subi %parallel_loop3A_606, %parallel_loop3A_626 : i32
        %parallel_loop3A_628 = arith.select %parallel_loop3A_625, %parallel_loop3A_627, %parallel_loop3A_606 : i32
        %parallel_loop3A_629 = arith.constant 8 : i32
        %parallel_loop3A_630 = arith.constant 0 : i32
        %parallel_loop3A_631 = arith.cmpi eq, %parallel_loop3A_629, %parallel_loop3A_630 : i32
        %parallel_loop3A_632 = arith.constant 1 : i32
        %parallel_loop3A_633 = arith.select %parallel_loop3A_631, %parallel_loop3A_632, %parallel_loop3A_629 : i32
        %parallel_loop3A_634 = arith.remsi %parallel_loop3A_587, %parallel_loop3A_633 : i32
        %parallel_loop3A_635 = arith.constant 0 : i32
        %parallel_loop3A_636 = arith.cmpi ne, %parallel_loop3A_634, %parallel_loop3A_635 : i32
        %parallel_loop3A_637 = arith.constant 0 : i32
        %parallel_loop3A_638 = arith.cmpi slt, %parallel_loop3A_634, %parallel_loop3A_637 : i32
        %parallel_loop3A_639 = arith.constant 0 : i32
        %parallel_loop3A_640 = arith.cmpi slt, %parallel_loop3A_633, %parallel_loop3A_639 : i32
        %parallel_loop3A_641 = arith.xori %parallel_loop3A_638, %parallel_loop3A_640 : i1
        %parallel_loop3A_642 = arith.andi %parallel_loop3A_641, %parallel_loop3A_636 : i1
        %parallel_loop3A_643 = arith.addi %parallel_loop3A_634, %parallel_loop3A_633 : i32
        %parallel_loop3A_644 = arith.select %parallel_loop3A_642, %parallel_loop3A_643, %parallel_loop3A_634 : i32
        %parallel_loop3A_645 = arith.constant 16 : i32
        %parallel_loop3A_646 = arith.muli %parallel_loop3A_644, %parallel_loop3A_645 : i32
        %parallel_loop3A_647 = arith.index_cast %select_n3A_533 : i32 to index
        %parallel_loop3A_648 = arith.index_cast %parallel_loop3A_628 : i32 to index
        %parallel_loop3A_649 = arith.index_cast %parallel_loop3A_646 : i32 to index
        %parallel_loop3A_650 = tpu.vector_load %arg7[%parallel_loop3A_647, %parallel_loop3A_648, %parallel_loop3A_649] {strides = array<i32>} : memref<2x128x128xf32, #tpu.memory_space<vmem>>, vector<16xf32>,
        tpu.vector_store %arg7[%parallel_loop3A_647, %parallel_loop3A_648, %parallel_loop3A_649], %parallel_loop3A_604 {strides = array<i32>} : memref<2x128x128xf32, #tpu.memory_space<vmem>>, vector<16xf32>,
      } {sc.loop_unroll_factor = 16 : i64, sc.parallel_access}
      %eq3A_577 = arith.constant 0 : i32
      %eq3A_578 = arith.cmpi eq, %select_n3A_533, %eq3A_577 : i32
      %convert_element_type3A_579 = arith.extui %eq3A_578 : i1 to i32
      %cond3A_580 = arith.constant 0 : i32
      %cond3A_581 = arith.cmpi ne, %convert_element_type3A_579, %cond3A_580 : i32
      scf.if %cond3A_581 {
        %jit3A_587 = arith.constant 16 : i32
        %div3A_588 = arith.divsi %add3A_407, %jit3A_587 : i32
        %sign3A_589 = arith.constant 0 : i32
        %sign3A_590 = arith.cmpi sgt, %add3A_407, %sign3A_589 : i32
        %sign3A_591 = arith.extui %sign3A_590 : i1 to i32
        %sign3A_592 = arith.constant 0 : i32
        %sign3A_593 = arith.cmpi slt, %add3A_407, %sign3A_592 : i32
        %sign3A_594 = arith.extui %sign3A_593 : i1 to i32
        %sign3A_595 = arith.subi %sign3A_591, %sign3A_594 : i32
        %sign3A_596 = arith.constant 0 : i32
        %sign3A_597 = arith.cmpi sgt, %jit3A_587, %sign3A_596 : i32
        %sign3A_598 = arith.extui %sign3A_597 : i1 to i32
        %sign3A_599 = arith.constant 0 : i32
        %sign3A_600 = arith.cmpi slt, %jit3A_587, %sign3A_599 : i32
        %sign3A_601 = arith.extui %sign3A_600 : i1 to i32
        %sign3A_602 = arith.subi %sign3A_598, %sign3A_601 : i32
        %ne3A_603 = arith.cmpi ne, %sign3A_595, %sign3A_602 : i32
        %rem3A_604 = arith.remsi %add3A_407, %jit3A_587 : i32
        %ne3A_605 = arith.constant 0 : i32
        %ne3A_606 = arith.cmpi ne, %rem3A_604, %ne3A_605 : i32
        %and3A_607 = arith.andi %ne3A_603, %ne3A_606 : i1
        %sub3A_608 = arith.constant 1 : i32
        %sub3A_609 = arith.subi %div3A_588, %sub3A_608 : i32
        %select_n3A_610 = arith.select %and3A_607, %sub3A_609, %div3A_588 : i32
        %jit3A_611 = arith.constant 16 : i32
        %eq3A_612 = arith.constant 0 : i32
        %eq3A_613 = arith.cmpi eq, %jit3A_611, %eq3A_612 : i32
        %jit3A_614 = arith.constant 1 : i32
        %select_n3A_615 = arith.select %eq3A_613, %jit3A_614, %jit3A_611 : i32
        %rem3A_616 = arith.remsi %add3A_407, %select_n3A_615 : i32
        %ne3A_617 = arith.constant 0 : i32
        %ne3A_618 = arith.cmpi ne, %rem3A_616, %ne3A_617 : i32
        %lt3A_619 = arith.constant 0 : i32
        %lt3A_620 = arith.cmpi slt, %rem3A_616, %lt3A_619 : i32
        %lt3A_621 = arith.constant 0 : i32
        %lt3A_622 = arith.cmpi slt, %select_n3A_615, %lt3A_621 : i32
        %ne3A_623 = arith.xori %lt3A_620, %lt3A_622 : i1
        %and3A_624 = arith.andi %ne3A_623, %ne3A_618 : i1
        %add3A_625 = arith.addi %rem3A_616, %select_n3A_615 : i32
        %select_n3A_626 = arith.select %and3A_624, %add3A_625, %rem3A_616 : i32
        %jit3A_627 = arith.constant 8 : i32
        %div3A_628 = arith.divsi %select_n3A_626, %jit3A_627 : i32
        %sign3A_629 = arith.constant 0 : i32
        %sign3A_630 = arith.cmpi sgt, %select_n3A_626, %sign3A_629 : i32
        %sign3A_631 = arith.extui %sign3A_630 : i1 to i32
        %sign3A_632 = arith.constant 0 : i32
        %sign3A_633 = arith.cmpi slt, %select_n3A_626, %sign3A_632 : i32
        %sign3A_634 = arith.extui %sign3A_633 : i1 to i32
        %sign3A_635 = arith.subi %sign3A_631, %sign3A_634 : i32
        %sign3A_636 = arith.constant 0 : i32
        %sign3A_637 = arith.cmpi sgt, %jit3A_627, %sign3A_636 : i32
        %sign3A_638 = arith.extui %sign3A_637 : i1 to i32
        %sign3A_639 = arith.constant 0 : i32
        %sign3A_640 = arith.cmpi slt, %jit3A_627, %sign3A_639 : i32
        %sign3A_641 = arith.extui %sign3A_640 : i1 to i32
        %sign3A_642 = arith.subi %sign3A_638, %sign3A_641 : i32
        %ne3A_643 = arith.cmpi ne, %sign3A_635, %sign3A_642 : i32
        %rem3A_644 = arith.remsi %select_n3A_626, %jit3A_627 : i32
        %ne3A_645 = arith.constant 0 : i32
        %ne3A_646 = arith.cmpi ne, %rem3A_644, %ne3A_645 : i32
        %and3A_647 = arith.andi %ne3A_643, %ne3A_646 : i1
        %sub3A_648 = arith.constant 1 : i32
        %sub3A_649 = arith.subi %div3A_628, %sub3A_648 : i32
        %select_n3A_650 = arith.select %and3A_647, %sub3A_649, %div3A_628 : i32
        %jit3A_651 = arith.constant 8 : i32
        %eq3A_652 = arith.constant 0 : i32
        %eq3A_653 = arith.cmpi eq, %jit3A_651, %eq3A_652 : i32
        %jit3A_654 = arith.constant 1 : i32
        %select_n3A_655 = arith.select %eq3A_653, %jit3A_654, %jit3A_651 : i32
        %rem3A_656 = arith.remsi %select_n3A_626, %select_n3A_655 : i32
        %ne3A_657 = arith.constant 0 : i32
        %ne3A_658 = arith.cmpi ne, %rem3A_656, %ne3A_657 : i32
        %lt3A_659 = arith.constant 0 : i32
        %lt3A_660 = arith.cmpi slt, %rem3A_656, %lt3A_659 : i32
        %lt3A_661 = arith.constant 0 : i32
        %lt3A_662 = arith.cmpi slt, %select_n3A_655, %lt3A_661 : i32
        %ne3A_663 = arith.xori %lt3A_660, %lt3A_662 : i1
        %and3A_664 = arith.andi %ne3A_663, %ne3A_658 : i1
        %add3A_665 = arith.addi %rem3A_656, %select_n3A_655 : i32
        %select_n3A_666 = arith.select %and3A_664, %add3A_665, %rem3A_656 : i32
        %mul3A_667 = arith.constant 8125 : i32
        %mul3A_668 = arith.muli %select_n3A_650, %mul3A_667 : i32
        %mul3A_669 = arith.constant 312 : i32
        %mul3A_670 = arith.muli %mul3A_669, %select_n3A_610 : i32
        %add3A_671 = arith.addi %mul3A_668, %mul3A_670 : i32
        %jit3A_672 = arith.constant 2 : i32
        %div3A_673 = arith.divsi %select_n3A_610, %jit3A_672 : i32
        %sign3A_674 = arith.constant 0 : i32
        %sign3A_675 = arith.cmpi sgt, %select_n3A_610, %sign3A_674 : i32
        %sign3A_676 = arith.extui %sign3A_675 : i1 to i32
        %sign3A_677 = arith.constant 0 : i32
        %sign3A_678 = arith.cmpi slt, %select_n3A_610, %sign3A_677 : i32
        %sign3A_679 = arith.extui %sign3A_678 : i1 to i32
        %sign3A_680 = arith.subi %sign3A_676, %sign3A_679 : i32
        %sign3A_681 = arith.constant 0 : i32
        %sign3A_682 = arith.cmpi sgt, %jit3A_672, %sign3A_681 : i32
        %sign3A_683 = arith.extui %sign3A_682 : i1 to i32
        %sign3A_684 = arith.constant 0 : i32
        %sign3A_685 = arith.cmpi slt, %jit3A_672, %sign3A_684 : i32
        %sign3A_686 = arith.extui %sign3A_685 : i1 to i32
        %sign3A_687 = arith.subi %sign3A_683, %sign3A_686 : i32
        %ne3A_688 = arith.cmpi ne, %sign3A_680, %sign3A_687 : i32
        %rem3A_689 = arith.remsi %select_n3A_610, %jit3A_672 : i32
        %ne3A_690 = arith.constant 0 : i32
        %ne3A_691 = arith.cmpi ne, %rem3A_689, %ne3A_690 : i32
        %and3A_692 = arith.andi %ne3A_688, %ne3A_691 : i1
        %sub3A_693 = arith.constant 1 : i32
        %sub3A_694 = arith.subi %div3A_673, %sub3A_693 : i32
        %select_n3A_695 = arith.select %and3A_692, %sub3A_694, %div3A_673 : i32
        %add3A_696 = arith.addi %add3A_671, %select_n3A_695 : i32
        %mul3A_697 = arith.constant 2 : i32
        %mul3A_698 = arith.muli %select_n3A_610, %mul3A_697 : i32
        %add3A_699 = arith.addi %mul3A_698, %select_n3A_650 : i32
        %mul3A_700 = arith.constant 128 : i32
        %mul3A_701 = arith.muli %add3A_699, %mul3A_700 : i32
        %mul3A_702 = arith.constant 128 : i32
        %mul3A_703 = arith.muli %select_n3A_666, %mul3A_702 : i32
        %dma_start3A_704 = arith.constant 0 : i32
        %dma_start3A_705 = arith.constant 0 : i32
        %dma_start3A_706 = arith.constant 0 : i32
        %dma_start3A_707 = tpu.memref_slice %arg7[%dma_start3A_704, %dma_start3A_705, %dma_start3A_706] : memref<2x128x128xf32, #tpu.memory_space<vmem>> -> memref<1x128x128xf32, #tpu.memory_space<vmem>>
        %dma_start3A_708 = tpu.memref_squeeze %dma_start3A_707 : memref<1x128x128xf32, #tpu.memory_space<vmem>> -> memref<128x128xf32, #tpu.memory_space<vmem>>
        %dma_start3A_709 = tpu.memref_slice %arg4[%mul3A_701, %mul3A_703] : memref<6656x1024xf32, #tpu.memory_space<hbm>> -> memref<128x128xf32, #tpu.memory_space<hbm>>
        %dma_start3A_710 = tpu.memref_slice %arg4[%mul3A_701, %mul3A_703] : memref<6656x1024xf32, #tpu.memory_space<hbm>> -> memref<128x128xf32, #tpu.memory_space<hbm>>
        %dma_start3A_711 = arith.constant 0 : i32
        %dma_start3A_712 = arith.constant 0 : i32
        %dma_start3A_713 = tpu.memref_slice %arg7[%dma_start3A_704, %dma_start3A_711, %dma_start3A_712] : memref<2x128x128xf32, #tpu.memory_space<vmem>> -> memref<1x128x128xf32, #tpu.memory_space<vmem>>
        %dma_start3A_714 = tpu.memref_squeeze %dma_start3A_713 : memref<1x128x128xf32, #tpu.memory_space<vmem>> -> memref<128x128xf32, #tpu.memory_space<vmem>>
        tpu.enqueue_dma source(%dma_start3A_714 : memref<128x128xf32, #tpu.memory_space<vmem>>) target(%dma_start3A_710 : memref<128x128xf32, #tpu.memory_space<hbm>>) target_semaphore(%arg10 : memref<!tpu.dma_semaphore, #tpu.memory_space<semaphore_mem>>)
      } else {
      }
      %eq3A_582 = arith.constant 1 : i32
      %eq3A_583 = arith.cmpi eq, %select_n3A_533, %eq3A_582 : i32
      %convert_element_type3A_584 = arith.extui %eq3A_583 : i1 to i32
      %cond3A_585 = arith.constant 0 : i32
      %cond3A_586 = arith.cmpi ne, %convert_element_type3A_584, %cond3A_585 : i32
      scf.if %cond3A_586 {
        %jit3A_587 = arith.constant 16 : i32
        %div3A_588 = arith.divsi %add3A_407, %jit3A_587 : i32
        %sign3A_589 = arith.constant 0 : i32
        %sign3A_590 = arith.cmpi sgt, %add3A_407, %sign3A_589 : i32
        %sign3A_591 = arith.extui %sign3A_590 : i1 to i32
        %sign3A_592 = arith.constant 0 : i32
        %sign3A_593 = arith.cmpi slt, %add3A_407, %sign3A_592 : i32
        %sign3A_594 = arith.extui %sign3A_593 : i1 to i32
        %sign3A_595 = arith.subi %sign3A_591, %sign3A_594 : i32
        %sign3A_596 = arith.constant 0 : i32
        %sign3A_597 = arith.cmpi sgt, %jit3A_587, %sign3A_596 : i32
        %sign3A_598 = arith.extui %sign3A_597 : i1 to i32
        %sign3A_599 = arith.constant 0 : i32
        %sign3A_600 = arith.cmpi slt, %jit3A_587, %sign3A_599 : i32
        %sign3A_601 = arith.extui %sign3A_600 : i1 to i32
        %sign3A_602 = arith.subi %sign3A_598, %sign3A_601 : i32
        %ne3A_603 = arith.cmpi ne, %sign3A_595, %sign3A_602 : i32
        %rem3A_604 = arith.remsi %add3A_407, %jit3A_587 : i32
        %ne3A_605 = arith.constant 0 : i32
        %ne3A_606 = arith.cmpi ne, %rem3A_604, %ne3A_605 : i32
        %and3A_607 = arith.andi %ne3A_603, %ne3A_606 : i1
        %sub3A_608 = arith.constant 1 : i32
        %sub3A_609 = arith.subi %div3A_588, %sub3A_608 : i32
        %select_n3A_610 = arith.select %and3A_607, %sub3A_609, %div3A_588 : i32
        %jit3A_611 = arith.constant 16 : i32
        %eq3A_612 = arith.constant 0 : i32
        %eq3A_613 = arith.cmpi eq, %jit3A_611, %eq3A_612 : i32
        %jit3A_614 = arith.constant 1 : i32
        %select_n3A_615 = arith.select %eq3A_613, %jit3A_614, %jit3A_611 : i32
        %rem3A_616 = arith.remsi %add3A_407, %select_n3A_615 : i32
        %ne3A_617 = arith.constant 0 : i32
        %ne3A_618 = arith.cmpi ne, %rem3A_616, %ne3A_617 : i32
        %lt3A_619 = arith.constant 0 : i32
        %lt3A_620 = arith.cmpi slt, %rem3A_616, %lt3A_619 : i32
        %lt3A_621 = arith.constant 0 : i32
        %lt3A_622 = arith.cmpi slt, %select_n3A_615, %lt3A_621 : i32
        %ne3A_623 = arith.xori %lt3A_620, %lt3A_622 : i1
        %and3A_624 = arith.andi %ne3A_623, %ne3A_618 : i1
        %add3A_625 = arith.addi %rem3A_616, %select_n3A_615 : i32
        %select_n3A_626 = arith.select %and3A_624, %add3A_625, %rem3A_616 : i32
        %jit3A_627 = arith.constant 8 : i32
        %div3A_628 = arith.divsi %select_n3A_626, %jit3A_627 : i32
        %sign3A_629 = arith.constant 0 : i32
        %sign3A_630 = arith.cmpi sgt, %select_n3A_626, %sign3A_629 : i32
        %sign3A_631 = arith.extui %sign3A_630 : i1 to i32
        %sign3A_632 = arith.constant 0 : i32
        %sign3A_633 = arith.cmpi slt, %select_n3A_626, %sign3A_632 : i32
        %sign3A_634 = arith.extui %sign3A_633 : i1 to i32
        %sign3A_635 = arith.subi %sign3A_631, %sign3A_634 : i32
        %sign3A_636 = arith.constant 0 : i32
        %sign3A_637 = arith.cmpi sgt, %jit3A_627, %sign3A_636 : i32
        %sign3A_638 = arith.extui %sign3A_637 : i1 to i32
        %sign3A_639 = arith.constant 0 : i32
        %sign3A_640 = arith.cmpi slt, %jit3A_627, %sign3A_639 : i32
        %sign3A_641 = arith.extui %sign3A_640 : i1 to i32
        %sign3A_642 = arith.subi %sign3A_638, %sign3A_641 : i32
        %ne3A_643 = arith.cmpi ne, %sign3A_635, %sign3A_642 : i32
        %rem3A_644 = arith.remsi %select_n3A_626, %jit3A_627 : i32
        %ne3A_645 = arith.constant 0 : i32
        %ne3A_646 = arith.cmpi ne, %rem3A_644, %ne3A_645 : i32
        %and3A_647 = arith.andi %ne3A_643, %ne3A_646 : i1
        %sub3A_648 = arith.constant 1 : i32
        %sub3A_649 = arith.subi %div3A_628, %sub3A_648 : i32
        %select_n3A_650 = arith.select %and3A_647, %sub3A_649, %div3A_628 : i32
        %jit3A_651 = arith.constant 8 : i32
        %eq3A_652 = arith.constant 0 : i32
        %eq3A_653 = arith.cmpi eq, %jit3A_651, %eq3A_652 : i32
        %jit3A_654 = arith.constant 1 : i32
        %select_n3A_655 = arith.select %eq3A_653, %jit3A_654, %jit3A_651 : i32
        %rem3A_656 = arith.remsi %select_n3A_626, %select_n3A_655 : i32
        %ne3A_657 = arith.constant 0 : i32
        %ne3A_658 = arith.cmpi ne, %rem3A_656, %ne3A_657 : i32
        %lt3A_659 = arith.constant 0 : i32
        %lt3A_660 = arith.cmpi slt, %rem3A_656, %lt3A_659 : i32
        %lt3A_661 = arith.constant 0 : i32
        %lt3A_662 = arith.cmpi slt, %select_n3A_655, %lt3A_661 : i32
        %ne3A_663 = arith.xori %lt3A_660, %lt3A_662 : i1
        %and3A_664 = arith.andi %ne3A_663, %ne3A_658 : i1
        %add3A_665 = arith.addi %rem3A_656, %select_n3A_655 : i32
        %select_n3A_666 = arith.select %and3A_664, %add3A_665, %rem3A_656 : i32
        %mul3A_667 = arith.constant 8125 : i32
        %mul3A_668 = arith.muli %select_n3A_650, %mul3A_667 : i32
        %mul3A_669 = arith.constant 312 : i32
        %mul3A_670 = arith.muli %mul3A_669, %select_n3A_610 : i32
        %add3A_671 = arith.addi %mul3A_668, %mul3A_670 : i32
        %jit3A_672 = arith.constant 2 : i32
        %div3A_673 = arith.divsi %select_n3A_610, %jit3A_672 : i32
        %sign3A_674 = arith.constant 0 : i32
        %sign3A_675 = arith.cmpi sgt, %select_n3A_610, %sign3A_674 : i32
        %sign3A_676 = arith.extui %sign3A_675 : i1 to i32
        %sign3A_677 = arith.constant 0 : i32
        %sign3A_678 = arith.cmpi slt, %select_n3A_610, %sign3A_677 : i32
        %sign3A_679 = arith.extui %sign3A_678 : i1 to i32
        %sign3A_680 = arith.subi %sign3A_676, %sign3A_679 : i32
        %sign3A_681 = arith.constant 0 : i32
        %sign3A_682 = arith.cmpi sgt, %jit3A_672, %sign3A_681 : i32
        %sign3A_683 = arith.extui %sign3A_682 : i1 to i32
        %sign3A_684 = arith.constant 0 : i32
        %sign3A_685 = arith.cmpi slt, %jit3A_672, %sign3A_684 : i32
        %sign3A_686 = arith.extui %sign3A_685 : i1 to i32
        %sign3A_687 = arith.subi %sign3A_683, %sign3A_686 : i32
        %ne3A_688 = arith.cmpi ne, %sign3A_680, %sign3A_687 : i32
        %rem3A_689 = arith.remsi %select_n3A_610, %jit3A_672 : i32
        %ne3A_690 = arith.constant 0 : i32
        %ne3A_691 = arith.cmpi ne, %rem3A_689, %ne3A_690 : i32
        %and3A_692 = arith.andi %ne3A_688, %ne3A_691 : i1
        %sub3A_693 = arith.constant 1 : i32
        %sub3A_694 = arith.subi %div3A_673, %sub3A_693 : i32
        %select_n3A_695 = arith.select %and3A_692, %sub3A_694, %div3A_673 : i32
        %add3A_696 = arith.addi %add3A_671, %select_n3A_695 : i32
        %mul3A_697 = arith.constant 2 : i32
        %mul3A_698 = arith.muli %select_n3A_610, %mul3A_697 : i32
        %add3A_699 = arith.addi %mul3A_698, %select_n3A_650 : i32
        %mul3A_700 = arith.constant 128 : i32
        %mul3A_701 = arith.muli %add3A_699, %mul3A_700 : i32
        %mul3A_702 = arith.constant 128 : i32
        %mul3A_703 = arith.muli %select_n3A_666, %mul3A_702 : i32
        %dma_start3A_704 = arith.constant 1 : i32
        %dma_start3A_705 = arith.constant 0 : i32
        %dma_start3A_706 = arith.constant 0 : i32
        %dma_start3A_707 = tpu.memref_slice %arg7[%dma_start3A_704, %dma_start3A_705, %dma_start3A_706] : memref<2x128x128xf32, #tpu.memory_space<vmem>> -> memref<1x128x128xf32, #tpu.memory_space<vmem>>
        %dma_start3A_708 = tpu.memref_squeeze %dma_start3A_707 : memref<1x128x128xf32, #tpu.memory_space<vmem>> -> memref<128x128xf32, #tpu.memory_space<vmem>>
        %dma_start3A_709 = tpu.memref_slice %arg4[%mul3A_701, %mul3A_703] : memref<6656x1024xf32, #tpu.memory_space<hbm>> -> memref<128x128xf32, #tpu.memory_space<hbm>>
        %dma_start3A_710 = tpu.memref_slice %arg4[%mul3A_701, %mul3A_703] : memref<6656x1024xf32, #tpu.memory_space<hbm>> -> memref<128x128xf32, #tpu.memory_space<hbm>>
        %dma_start3A_711 = arith.constant 0 : i32
        %dma_start3A_712 = arith.constant 0 : i32
        %dma_start3A_713 = tpu.memref_slice %arg7[%dma_start3A_704, %dma_start3A_711, %dma_start3A_712] : memref<2x128x128xf32, #tpu.memory_space<vmem>> -> memref<1x128x128xf32, #tpu.memory_space<vmem>>
        %dma_start3A_714 = tpu.memref_squeeze %dma_start3A_713 : memref<1x128x128xf32, #tpu.memory_space<vmem>> -> memref<128x128xf32, #tpu.memory_space<vmem>>
        tpu.enqueue_dma source(%dma_start3A_714 : memref<128x128xf32, #tpu.memory_space<vmem>>) target(%dma_start3A_710 : memref<128x128xf32, #tpu.memory_space<hbm>>) target_semaphore(%arg11 : memref<!tpu.dma_semaphore, #tpu.memory_space<semaphore_mem>>)
      } else {
      }
      scf.yield %select_n3A_431 : i32
    }
    %scan3A_143 = arith.constant 13 : i32
    %add3A_144 = arith.constant 13 : i32
    %add3A_145 = arith.addi %mul3A_2, %add3A_144 : i32
    %sub3A_146 = arith.constant 1 : i32
    %sub3A_147 = arith.subi %add3A_145, %sub3A_146 : i32
    %sub3A_148 = arith.constant 1 : i32
    %sub3A_149 = arith.subi %sub3A_147, %sub3A_148 : i32
    %jit3A_150 = arith.constant 16 : i32
    %div3A_151 = arith.divsi %sub3A_149, %jit3A_150 : i32
    %sign3A_152 = arith.constant 0 : i32
    %sign3A_153 = arith.cmpi sgt, %sub3A_149, %sign3A_152 : i32
    %sign3A_154 = arith.extui %sign3A_153 : i1 to i32
    %sign3A_155 = arith.constant 0 : i32
    %sign3A_156 = arith.cmpi slt, %sub3A_149, %sign3A_155 : i32
    %sign3A_157 = arith.extui %sign3A_156 : i1 to i32
    %sign3A_158 = arith.subi %sign3A_154, %sign3A_157 : i32
    %sign3A_159 = arith.constant 0 : i32
    %sign3A_160 = arith.cmpi sgt, %jit3A_150, %sign3A_159 : i32
    %sign3A_161 = arith.extui %sign3A_160 : i1 to i32
    %sign3A_162 = arith.constant 0 : i32
    %sign3A_163 = arith.cmpi slt, %jit3A_150, %sign3A_162 : i32
    %sign3A_164 = arith.extui %sign3A_163 : i1 to i32
    %sign3A_165 = arith.subi %sign3A_161, %sign3A_164 : i32
    %ne3A_166 = arith.cmpi ne, %sign3A_158, %sign3A_165 : i32
    %rem3A_167 = arith.remsi %sub3A_149, %jit3A_150 : i32
    %ne3A_168 = arith.constant 0 : i32
    %ne3A_169 = arith.cmpi ne, %rem3A_167, %ne3A_168 : i32
    %and3A_170 = arith.andi %ne3A_166, %ne3A_169 : i1
    %sub3A_171 = arith.constant 1 : i32
    %sub3A_172 = arith.subi %div3A_151, %sub3A_171 : i32
    %select_n3A_173 = arith.select %and3A_170, %sub3A_172, %div3A_151 : i32
    %jit3A_174 = arith.constant 16 : i32
    %eq3A_175 = arith.constant 0 : i32
    %eq3A_176 = arith.cmpi eq, %jit3A_174, %eq3A_175 : i32
    %jit3A_177 = arith.constant 1 : i32
    %select_n3A_178 = arith.select %eq3A_176, %jit3A_177, %jit3A_174 : i32
    %rem3A_179 = arith.remsi %sub3A_149, %select_n3A_178 : i32
    %ne3A_180 = arith.constant 0 : i32
    %ne3A_181 = arith.cmpi ne, %rem3A_179, %ne3A_180 : i32
    %lt3A_182 = arith.constant 0 : i32
    %lt3A_183 = arith.cmpi slt, %rem3A_179, %lt3A_182 : i32
    %lt3A_184 = arith.constant 0 : i32
    %lt3A_185 = arith.cmpi slt, %select_n3A_178, %lt3A_184 : i32
    %ne3A_186 = arith.xori %lt3A_183, %lt3A_185 : i1
    %and3A_187 = arith.andi %ne3A_186, %ne3A_181 : i1
    %add3A_188 = arith.addi %rem3A_179, %select_n3A_178 : i32
    %select_n3A_189 = arith.select %and3A_187, %add3A_188, %rem3A_179 : i32
    %jit3A_190 = arith.constant 8 : i32
    %div3A_191 = arith.divsi %select_n3A_189, %jit3A_190 : i32
    %sign3A_192 = arith.constant 0 : i32
    %sign3A_193 = arith.cmpi sgt, %select_n3A_189, %sign3A_192 : i32
    %sign3A_194 = arith.extui %sign3A_193 : i1 to i32
    %sign3A_195 = arith.constant 0 : i32
    %sign3A_196 = arith.cmpi slt, %select_n3A_189, %sign3A_195 : i32
    %sign3A_197 = arith.extui %sign3A_196 : i1 to i32
    %sign3A_198 = arith.subi %sign3A_194, %sign3A_197 : i32
    %sign3A_199 = arith.constant 0 : i32
    %sign3A_200 = arith.cmpi sgt, %jit3A_190, %sign3A_199 : i32
    %sign3A_201 = arith.extui %sign3A_200 : i1 to i32
    %sign3A_202 = arith.constant 0 : i32
    %sign3A_203 = arith.cmpi slt, %jit3A_190, %sign3A_202 : i32
    %sign3A_204 = arith.extui %sign3A_203 : i1 to i32
    %sign3A_205 = arith.subi %sign3A_201, %sign3A_204 : i32
    %ne3A_206 = arith.cmpi ne, %sign3A_198, %sign3A_205 : i32
    %rem3A_207 = arith.remsi %select_n3A_189, %jit3A_190 : i32
    %ne3A_208 = arith.constant 0 : i32
    %ne3A_209 = arith.cmpi ne, %rem3A_207, %ne3A_208 : i32
    %and3A_210 = arith.andi %ne3A_206, %ne3A_209 : i1
    %sub3A_211 = arith.constant 1 : i32
    %sub3A_212 = arith.subi %div3A_191, %sub3A_211 : i32
    %select_n3A_213 = arith.select %and3A_210, %sub3A_212, %div3A_191 : i32
    %jit3A_214 = arith.constant 8 : i32
    %eq3A_215 = arith.constant 0 : i32
    %eq3A_216 = arith.cmpi eq, %jit3A_214, %eq3A_215 : i32
    %jit3A_217 = arith.constant 1 : i32
    %select_n3A_218 = arith.select %eq3A_216, %jit3A_217, %jit3A_214 : i32
    %rem3A_219 = arith.remsi %select_n3A_189, %select_n3A_218 : i32
    %ne3A_220 = arith.constant 0 : i32
    %ne3A_221 = arith.cmpi ne, %rem3A_219, %ne3A_220 : i32
    %lt3A_222 = arith.constant 0 : i32
    %lt3A_223 = arith.cmpi slt, %rem3A_219, %lt3A_222 : i32
    %lt3A_224 = arith.constant 0 : i32
    %lt3A_225 = arith.cmpi slt, %select_n3A_218, %lt3A_224 : i32
    %ne3A_226 = arith.xori %lt3A_223, %lt3A_225 : i1
    %and3A_227 = arith.andi %ne3A_226, %ne3A_221 : i1
    %add3A_228 = arith.addi %rem3A_219, %select_n3A_218 : i32
    %select_n3A_229 = arith.select %and3A_227, %add3A_228, %rem3A_219 : i32
    %mul3A_230 = arith.constant 8125 : i32
    %mul3A_231 = arith.muli %select_n3A_213, %mul3A_230 : i32
    %mul3A_232 = arith.constant 312 : i32
    %mul3A_233 = arith.muli %mul3A_232, %select_n3A_173 : i32
    %add3A_234 = arith.addi %mul3A_231, %mul3A_233 : i32
    %jit3A_235 = arith.constant 2 : i32
    %div3A_236 = arith.divsi %select_n3A_173, %jit3A_235 : i32
    %sign3A_237 = arith.constant 0 : i32
    %sign3A_238 = arith.cmpi sgt, %select_n3A_173, %sign3A_237 : i32
    %sign3A_239 = arith.extui %sign3A_238 : i1 to i32
    %sign3A_240 = arith.constant 0 : i32
    %sign3A_241 = arith.cmpi slt, %select_n3A_173, %sign3A_240 : i32
    %sign3A_242 = arith.extui %sign3A_241 : i1 to i32
    %sign3A_243 = arith.subi %sign3A_239, %sign3A_242 : i32
    %sign3A_244 = arith.constant 0 : i32
    %sign3A_245 = arith.cmpi sgt, %jit3A_235, %sign3A_244 : i32
    %sign3A_246 = arith.extui %sign3A_245 : i1 to i32
    %sign3A_247 = arith.constant 0 : i32
    %sign3A_248 = arith.cmpi slt, %jit3A_235, %sign3A_247 : i32
    %sign3A_249 = arith.extui %sign3A_248 : i1 to i32
    %sign3A_250 = arith.subi %sign3A_246, %sign3A_249 : i32
    %ne3A_251 = arith.cmpi ne, %sign3A_243, %sign3A_250 : i32
    %rem3A_252 = arith.remsi %select_n3A_173, %jit3A_235 : i32
    %ne3A_253 = arith.constant 0 : i32
    %ne3A_254 = arith.cmpi ne, %rem3A_252, %ne3A_253 : i32
    %and3A_255 = arith.andi %ne3A_251, %ne3A_254 : i1
    %sub3A_256 = arith.constant 1 : i32
    %sub3A_257 = arith.subi %div3A_236, %sub3A_256 : i32
    %select_n3A_258 = arith.select %and3A_255, %sub3A_257, %div3A_236 : i32
    %add3A_259 = arith.addi %add3A_234, %select_n3A_258 : i32
    %mul3A_260 = arith.constant 2 : i32
    %mul3A_261 = arith.muli %select_n3A_173, %mul3A_260 : i32
    %add3A_262 = arith.addi %mul3A_261, %select_n3A_213 : i32
    %mul3A_263 = arith.constant 128 : i32
    %mul3A_264 = arith.muli %add3A_262, %mul3A_263 : i32
    %mul3A_265 = arith.constant 128 : i32
    %mul3A_266 = arith.muli %select_n3A_229, %mul3A_265 : i32
    %dma_wait3A = arith.constant 1 : i32
    %dma_wait3A_267 = arith.constant 0 : i32
    %dma_wait3A_268 = arith.constant 0 : i32
    %dma_wait3A_269 = tpu.memref_slice %arg7[%dma_wait3A, %dma_wait3A_267, %dma_wait3A_268] : memref<2x128x128xf32, #tpu.memory_space<vmem>> -> memref<1x128x128xf32, #tpu.memory_space<vmem>>
    %dma_wait3A_270 = tpu.memref_squeeze %dma_wait3A_269 : memref<1x128x128xf32, #tpu.memory_space<vmem>> -> memref<128x128xf32, #tpu.memory_space<vmem>>
    %dma_wait3A_271 = tpu.memref_slice %arg4[%mul3A_264, %mul3A_266] : memref<6656x1024xf32, #tpu.memory_space<hbm>> -> memref<128x128xf32, #tpu.memory_space<hbm>>
    %dma_wait3A_272 = tpu.memref_slice %arg4[%mul3A_264, %mul3A_266] : memref<6656x1024xf32, #tpu.memory_space<hbm>> -> memref<128x128xf32, #tpu.memory_space<hbm>>
    %dma_wait3A_273 = arith.constant 0 : i32
    %dma_wait3A_274 = arith.constant 0 : i32
    %dma_wait3A_275 = tpu.memref_slice %arg7[%dma_wait3A, %dma_wait3A_273, %dma_wait3A_274] : memref<2x128x128xf32, #tpu.memory_space<vmem>> -> memref<1x128x128xf32, #tpu.memory_space<vmem>>
    %dma_wait3A_276 = tpu.memref_squeeze %dma_wait3A_275 : memref<1x128x128xf32, #tpu.memory_space<vmem>> -> memref<128x128xf32, #tpu.memory_space<vmem>>
    tpu.wait_dma2 semaphore(%arg11 : memref<!tpu.dma_semaphore, #tpu.memory_space<semaphore_mem>>) src(%dma_wait3A_276 : memref<128x128xf32, #tpu.memory_space<vmem>>) dst(%dma_wait3A_272 : memref<128x128xf32, #tpu.memory_space<hbm>>)
    %jit3A_277 = arith.constant 16 : i32
    %div3A_278 = arith.divsi %sub3A_147, %jit3A_277 : i32
    %sign3A_279 = arith.constant 0 : i32
    %sign3A_280 = arith.cmpi sgt, %sub3A_147, %sign3A_279 : i32
    %sign3A_281 = arith.extui %sign3A_280 : i1 to i32
    %sign3A_282 = arith.constant 0 : i32
    %sign3A_283 = arith.cmpi slt, %sub3A_147, %sign3A_282 : i32
    %sign3A_284 = arith.extui %sign3A_283 : i1 to i32
    %sign3A_285 = arith.subi %sign3A_281, %sign3A_284 : i32
    %sign3A_286 = arith.constant 0 : i32
    %sign3A_287 = arith.cmpi sgt, %jit3A_277, %sign3A_286 : i32
    %sign3A_288 = arith.extui %sign3A_287 : i1 to i32
    %sign3A_289 = arith.constant 0 : i32
    %sign3A_290 = arith.cmpi slt, %jit3A_277, %sign3A_289 : i32
    %sign3A_291 = arith.extui %sign3A_290 : i1 to i32
    %sign3A_292 = arith.subi %sign3A_288, %sign3A_291 : i32
    %ne3A_293 = arith.cmpi ne, %sign3A_285, %sign3A_292 : i32
    %rem3A_294 = arith.remsi %sub3A_147, %jit3A_277 : i32
    %ne3A_295 = arith.constant 0 : i32
    %ne3A_296 = arith.cmpi ne, %rem3A_294, %ne3A_295 : i32
    %and3A_297 = arith.andi %ne3A_293, %ne3A_296 : i1
    %sub3A_298 = arith.constant 1 : i32
    %sub3A_299 = arith.subi %div3A_278, %sub3A_298 : i32
    %select_n3A_300 = arith.select %and3A_297, %sub3A_299, %div3A_278 : i32
    %jit3A_301 = arith.constant 16 : i32
    %eq3A_302 = arith.constant 0 : i32
    %eq3A_303 = arith.cmpi eq, %jit3A_301, %eq3A_302 : i32
    %jit3A_304 = arith.constant 1 : i32
    %select_n3A_305 = arith.select %eq3A_303, %jit3A_304, %jit3A_301 : i32
    %rem3A_306 = arith.remsi %sub3A_147, %select_n3A_305 : i32
    %ne3A_307 = arith.constant 0 : i32
    %ne3A_308 = arith.cmpi ne, %rem3A_306, %ne3A_307 : i32
    %lt3A_309 = arith.constant 0 : i32
    %lt3A_310 = arith.cmpi slt, %rem3A_306, %lt3A_309 : i32
    %lt3A_311 = arith.constant 0 : i32
    %lt3A_312 = arith.cmpi slt, %select_n3A_305, %lt3A_311 : i32
    %ne3A_313 = arith.xori %lt3A_310, %lt3A_312 : i1
    %and3A_314 = arith.andi %ne3A_313, %ne3A_308 : i1
    %add3A_315 = arith.addi %rem3A_306, %select_n3A_305 : i32
    %select_n3A_316 = arith.select %and3A_314, %add3A_315, %rem3A_306 : i32
    %jit3A_317 = arith.constant 8 : i32
    %div3A_318 = arith.divsi %select_n3A_316, %jit3A_317 : i32
    %sign3A_319 = arith.constant 0 : i32
    %sign3A_320 = arith.cmpi sgt, %select_n3A_316, %sign3A_319 : i32
    %sign3A_321 = arith.extui %sign3A_320 : i1 to i32
    %sign3A_322 = arith.constant 0 : i32
    %sign3A_323 = arith.cmpi slt, %select_n3A_316, %sign3A_322 : i32
    %sign3A_324 = arith.extui %sign3A_323 : i1 to i32
    %sign3A_325 = arith.subi %sign3A_321, %sign3A_324 : i32
    %sign3A_326 = arith.constant 0 : i32
    %sign3A_327 = arith.cmpi sgt, %jit3A_317, %sign3A_326 : i32
    %sign3A_328 = arith.extui %sign3A_327 : i1 to i32
    %sign3A_329 = arith.constant 0 : i32
    %sign3A_330 = arith.cmpi slt, %jit3A_317, %sign3A_329 : i32
    %sign3A_331 = arith.extui %sign3A_330 : i1 to i32
    %sign3A_332 = arith.subi %sign3A_328, %sign3A_331 : i32
    %ne3A_333 = arith.cmpi ne, %sign3A_325, %sign3A_332 : i32
    %rem3A_334 = arith.remsi %select_n3A_316, %jit3A_317 : i32
    %ne3A_335 = arith.constant 0 : i32
    %ne3A_336 = arith.cmpi ne, %rem3A_334, %ne3A_335 : i32
    %and3A_337 = arith.andi %ne3A_333, %ne3A_336 : i1
    %sub3A_338 = arith.constant 1 : i32
    %sub3A_339 = arith.subi %div3A_318, %sub3A_338 : i32
    %select_n3A_340 = arith.select %and3A_337, %sub3A_339, %div3A_318 : i32
    %jit3A_341 = arith.constant 8 : i32
    %eq3A_342 = arith.constant 0 : i32
    %eq3A_343 = arith.cmpi eq, %jit3A_341, %eq3A_342 : i32
    %jit3A_344 = arith.constant 1 : i32
    %select_n3A_345 = arith.select %eq3A_343, %jit3A_344, %jit3A_341 : i32
    %rem3A_346 = arith.remsi %select_n3A_316, %select_n3A_345 : i32
    %ne3A_347 = arith.constant 0 : i32
    %ne3A_348 = arith.cmpi ne, %rem3A_346, %ne3A_347 : i32
    %lt3A_349 = arith.constant 0 : i32
    %lt3A_350 = arith.cmpi slt, %rem3A_346, %lt3A_349 : i32
    %lt3A_351 = arith.constant 0 : i32
    %lt3A_352 = arith.cmpi slt, %select_n3A_345, %lt3A_351 : i32
    %ne3A_353 = arith.xori %lt3A_350, %lt3A_352 : i1
    %and3A_354 = arith.andi %ne3A_353, %ne3A_348 : i1
    %add3A_355 = arith.addi %rem3A_346, %select_n3A_345 : i32
    %select_n3A_356 = arith.select %and3A_354, %add3A_355, %rem3A_346 : i32
    %mul3A_357 = arith.constant 8125 : i32
    %mul3A_358 = arith.muli %select_n3A_340, %mul3A_357 : i32
    %mul3A_359 = arith.constant 312 : i32
    %mul3A_360 = arith.muli %mul3A_359, %select_n3A_300 : i32
    %add3A_361 = arith.addi %mul3A_358, %mul3A_360 : i32
    %jit3A_362 = arith.constant 2 : i32
    %div3A_363 = arith.divsi %select_n3A_300, %jit3A_362 : i32
    %sign3A_364 = arith.constant 0 : i32
    %sign3A_365 = arith.cmpi sgt, %select_n3A_300, %sign3A_364 : i32
    %sign3A_366 = arith.extui %sign3A_365 : i1 to i32
    %sign3A_367 = arith.constant 0 : i32
    %sign3A_368 = arith.cmpi slt, %select_n3A_300, %sign3A_367 : i32
    %sign3A_369 = arith.extui %sign3A_368 : i1 to i32
    %sign3A_370 = arith.subi %sign3A_366, %sign3A_369 : i32
    %sign3A_371 = arith.constant 0 : i32
    %sign3A_372 = arith.cmpi sgt, %jit3A_362, %sign3A_371 : i32
    %sign3A_373 = arith.extui %sign3A_372 : i1 to i32
    %sign3A_374 = arith.constant 0 : i32
    %sign3A_375 = arith.cmpi slt, %jit3A_362, %sign3A_374 : i32
    %sign3A_376 = arith.extui %sign3A_375 : i1 to i32
    %sign3A_377 = arith.subi %sign3A_373, %sign3A_376 : i32
    %ne3A_378 = arith.cmpi ne, %sign3A_370, %sign3A_377 : i32
    %rem3A_379 = arith.remsi %select_n3A_300, %jit3A_362 : i32
    %ne3A_380 = arith.constant 0 : i32
    %ne3A_381 = arith.cmpi ne, %rem3A_379, %ne3A_380 : i32
    %and3A_382 = arith.andi %ne3A_378, %ne3A_381 : i1
    %sub3A_383 = arith.constant 1 : i32
    %sub3A_384 = arith.subi %div3A_363, %sub3A_383 : i32
    %select_n3A_385 = arith.select %and3A_382, %sub3A_384, %div3A_363 : i32
    %add3A_386 = arith.addi %add3A_361, %select_n3A_385 : i32
    %mul3A_387 = arith.constant 2 : i32
    %mul3A_388 = arith.muli %select_n3A_300, %mul3A_387 : i32
    %add3A_389 = arith.addi %mul3A_388, %select_n3A_340 : i32
    %mul3A_390 = arith.constant 128 : i32
    %mul3A_391 = arith.muli %add3A_389, %mul3A_390 : i32
    %mul3A_392 = arith.constant 128 : i32
    %mul3A_393 = arith.muli %select_n3A_356, %mul3A_392 : i32
    %dma_wait3A_394 = arith.constant 0 : i32
    %dma_wait3A_395 = arith.constant 0 : i32
    %dma_wait3A_396 = arith.constant 0 : i32
    %dma_wait3A_397 = tpu.memref_slice %arg7[%dma_wait3A_394, %dma_wait3A_395, %dma_wait3A_396] : memref<2x128x128xf32, #tpu.memory_space<vmem>> -> memref<1x128x128xf32, #tpu.memory_space<vmem>>
    %dma_wait3A_398 = tpu.memref_squeeze %dma_wait3A_397 : memref<1x128x128xf32, #tpu.memory_space<vmem>> -> memref<128x128xf32, #tpu.memory_space<vmem>>
    %dma_wait3A_399 = tpu.memref_slice %arg4[%mul3A_391, %mul3A_393] : memref<6656x1024xf32, #tpu.memory_space<hbm>> -> memref<128x128xf32, #tpu.memory_space<hbm>>
    %dma_wait3A_400 = tpu.memref_slice %arg4[%mul3A_391, %mul3A_393] : memref<6656x1024xf32, #tpu.memory_space<hbm>> -> memref<128x128xf32, #tpu.memory_space<hbm>>
    %dma_wait3A_401 = arith.constant 0 : i32
    %dma_wait3A_402 = arith.constant 0 : i32
    %dma_wait3A_403 = tpu.memref_slice %arg7[%dma_wait3A_394, %dma_wait3A_401, %dma_wait3A_402] : memref<2x128x128xf32, #tpu.memory_space<vmem>> -> memref<1x128x128xf32, #tpu.memory_space<vmem>>
    %dma_wait3A_404 = tpu.memref_squeeze %dma_wait3A_403 : memref<1x128x128xf32, #tpu.memory_space<vmem>> -> memref<128x128xf32, #tpu.memory_space<vmem>>
    tpu.wait_dma2 semaphore(%arg10 : memref<!tpu.dma_semaphore, #tpu.memory_space<semaphore_mem>>) src(%dma_wait3A_404 : memref<128x128xf32, #tpu.memory_space<vmem>>) dst(%dma_wait3A_400 : memref<128x128xf32, #tpu.memory_space<hbm>>)
    return
  }
}

</mosaic_0001>

<sc_bundles>
// kernel: kernel.3.cloned.1.call-start
scs
__scs_entry_jumppad:
0x0: {  	(pc) =	sbr.rel $0x88, $3  }
0x1: {  	(tag) =	ssettag $0x0;
	lr =	simm.s32 $0x1  }
0x2: {  	[smem:$0x3F9F] =	sst lr;
	_ =	strace $0xD0000000  }
0x3: {  	_ = 	snop  }
0x4: {  	_ = 	snop  }
0x5: {  	_ = 	snop  }
0x6: {  	_ = 	snop  }
0x7: {  	_ = 	snop  }
__scs_overlays_trampoline_lowered:
0x8: {  	[smem:$0x3FAE] =	sst s0  }
0x9: {  	[smem:$0x3FAF] =	sst s1  }
0xa: {  	[smem:$0x3FB0] =	sst s2  }
0xb: {  	[smem:$0x3FB1] =	sst s3  }
0xc: {  	[smem:$0x3FB2] =	sst s4  }
0xd: {  	[smem:$0x3FB3] =	sst s5  }
0xe: {  	[smem:$0x3FB4] =	sst s6  }
0xf: {  	[smem:$0x3FB5] =	sst s7  }
0x10: {  	[smem:$0x3FB6] =	sst s8  }
0x11: {  	[smem:$0x3FB7] =	sst s9;
	s0 =	simm.s32 @!p0 $0x0  }
0x12: {  	s1 =	sld [smem:$0x3F9D];
	s0 =	simm.s32 @p0 $0x1  }
0x13: {  	[smem:$0x3FB8] =	sst s0;
	s0 =	simm.s32 @!p1 $0x0  }
0x14: {  	s2 =	sld [smem:$0x3F9C];
	s0 =	simm.s32 @p1 $0x1  }
0x15: {  	[smem:$0x3FB9] =	sst s0;
	s0 =	simm.s32 @!p2 $0x0  }
0x16: {  	s3 =	sld [smem:$0x3FDB];
	s0 =	simm.s32 @p2 $0x1  }
0x17: {  	s4 =	simm.s32 $0x1BF5;
	[smem:$0x3FBB] =	sst s0  }
0x18: {  	s0 =	sld [smem:$0x3F9E];
	_ =	swait.ge [sflag:s4], $0x0  }
0x19: {  	s7 =	sld [smem:$0x3F9F]  }
0x1a: {  	s8 =	sadd.s32 $0xFFFFE003, lr  }
0x1b: {  	s9 =	sadd.s32 $0xFFFFFEF7, lr;
	s5 =	simm.s32 $0xFFFFFFFF;
	p2 =	slt.u32 s8, $0xFFFFF086  }
0x1c: {  	p1 =	slt.u32 s9, $0xF7A;
	s5 =	simm.s32 @!p2 $0x0  }
0x1d: {  	s5 =	simm.s32 @p1 $0x1;
	p0 =	seq.s32 s7, s2  }
0x1e: {  	s7 =	smul.u32 @!p0 $0xF7A, s2;
	p2 =	seq.s32 @!p0 s5, $0x0  }
0x1f: {  	s9 =	smul.u32 $0xF7A, s1;
	s8 =	simm.s32 @!p0 $0x1BF5;
	p2 =	por !p2, p0  }
0x20: {  	[sflag:s8] =	ssyncset.s32 @!p0 $0xFFFFF086;
	s6 =	sadd.s32 @!p0 s3, s7;
	s7 =	simm.s32 @!p0 $0x108  }
0x21: {  	s3 =	sadd.s32 s3, s9;
	s6 =	sadd.s32 @!p0 $0x88, s6;
	s7 =	simm.s32 @p2 $0x1082  }
0x22: {  	[simem:s7], [sflag:s8] =	dma.local @!p0 [hbm:s6], $0xF7A  }
0x23: {  	s9 =	sor.u32 $0xD0000000, s2;
	s6 =	simm.s32 $0x108;
	_ =	swait.ge @!p0 [sflag:s8], $0x0  }
0x24: {  	s3 =	sadd.s32 $0x88, s3;
	s6 =	simm.s32 @!p1 $0x1082;
	[sflag:s4] =	ssyncset.s32 $0xFFFFF086  }
0x25: {  	[simem:s6], [sflag:s4] =	dma.local [hbm:s3], $0xF7A  }
0x26: {  	[smem:$0x3F9F] =	sst s1;
	(tag) =	ssettag s2;
	_ =	strace s9  }
0x27: {  	s1 =	sld [smem:$0x3FAF]  }
0x28: {  	s2 =	sld [smem:$0x3FB0]  }
0x29: {  	s4 =	sld [smem:$0x3FB2]  }
0x2a: {  	p0 =	seq.s32 s5, $0x0;
	s5 =	sld [smem:$0x3FB3]  }
0x2b: {  	s6 =	sld [smem:$0x3FB4]  }
0x2c: {  	s7 =	sld [smem:$0x3FB5]  }
0x2d: {  	s3 =	simm.s32 $0x108;
	s8 =	sld [smem:$0x3FB6]  }
0x2e: {  	s3 =	simm.s32 @!p0 $0x1082;
	s9 =	sld [smem:$0x3FB7]  }
0x2f: {  	lr =	sadd.s32 s0, s3;
	s0 =	sld [smem:$0x3FAE]  }
0x30: {  	s3 =	sld [smem:$0x3FB1]  }
0x31: {  	[smem:$0x3FBA] =	sst s10  }
0x32: {  	s10 =	sld [smem:$0x3FB8];
	_ =	sdelay $0x3  }
0x33: {  	p0 =	seq.s32 s10, $0x1;
	s10 =	sld [smem:$0x3FBA];
	_ =	sdelay $0x3  }
0x34: {  	[smem:$0x3FBA] =	sst s10  }
0x35: {  	s10 =	sld [smem:$0x3FB9];
	_ =	sdelay $0x3  }
0x36: {  	p1 =	seq.s32 s10, $0x1;
	s10 =	sld [smem:$0x3FBA];
	_ =	sdelay $0x3  }
0x37: {  	[smem:$0x3FBA] =	sst s10  }
0x38: {  	s10 =	sld [smem:$0x3FBB]  }
0x39: {  	_ = 	snop;
	(pc) =	sbr.ind lr, $3  }
0x3a: {  	_ = 	snop  }
0x3b: {  	_ = 	snop  }
0x3c: {  	p2 =	seq.s32 s10, $0x1;
	s10 =	sld [smem:$0x3FBA]  }
0x3d: {  	_ =	shalt  }
0x3e: {  	_ =	shalt  }
0x3f: {  	_ =	shalt  }
0x40: {  	_ =	shalt  }
0x41: {  	_ =	shalt  }
0x42: {  	_ =	shalt  }
0x43: {  	_ =	shalt  }
0x44: {  	_ =	shalt  }
0x45: {  	_ =	shalt  }
0x46: {  	_ =	shalt  }
0x47: {  	_ =	shalt  }
0x48: {  	_ =	shalt  }
0x49: {  	_ =	shalt  }
0x4a: {  	_ =	shalt  }
0x4b: {  	_ =	shalt  }
0x4c: {  	_ =	shalt  }
0x4d: {  	_ =	shalt  }
0x4e: {  	_ =	shalt  }
0x4f: {  	_ =	shalt  }
0x50: {  	_ =	shalt  }
0x51: {  	_ =	shalt  }
0x52: {  	_ =	shalt  }
0x53: {  	_ =	shalt  }
0x54: {  	_ =	shalt  }
0x55: {  	_ =	shalt  }
0x56: {  	_ =	shalt  }
0x57: {  	_ =	shalt  }
0x58: {  	_ =	shalt  }
0x59: {  	_ =	shalt  }
0x5a: {  	_ =	shalt  }
0x5b: {  	_ =	shalt  }
0x5c: {  	_ =	shalt  }
0x5d: {  	_ =	shalt  }
0x5e: {  	_ =	shalt  }
0x5f: {  	_ =	shalt  }
0x60: {  	_ =	shalt  }
0x61: {  	_ =	shalt  }
0x62: {  	_ =	shalt  }
0x63: {  	_ =	shalt  }
0x64: {  	_ =	shalt  }
0x65: {  	_ =	shalt  }
0x66: {  	_ =	shalt  }
0x67: {  	_ =	shalt  }
0x68: {  	_ =	shalt  }
0x69: {  	_ =	shalt  }
0x6a: {  	_ =	shalt  }
0x6b: {  	_ =	shalt  }
0x6c: {  	_ =	shalt  }
0x6d: {  	_ =	shalt  }
0x6e: {  	_ =	shalt  }
0x6f: {  	_ =	shalt  }
0x70: {  	_ =	shalt  }
0x71: {  	_ =	shalt  }
0x72: {  	_ =	shalt  }
0x73: {  	_ =	shalt  }
0x74: {  	_ =	shalt  }
0x75: {  	_ =	shalt  }
0x76: {  	_ =	shalt  }
0x77: {  	_ =	shalt  }
0x78: {  	_ =	shalt  }
0x79: {  	_ =	shalt  }
0x7a: {  	_ =	shalt  }
0x7b: {  	_ =	shalt  }
0x7c: {  	_ =	shalt  }
0x7d: {  	_ =	shalt  }
0x7e: {  	_ =	shalt  }
0x7f: {  	_ =	shalt  }
0x80: {  	_ =	shalt  }
0x81: {  	_ =	shalt  }
0x82: {  	_ =	shalt  }
0x83: {  	_ =	shalt  }
0x84: {  	_ =	shalt  }
0x85: {  	_ =	shalt  }
0x86: {  	_ =	shalt  }
0x87: {  	_ =	shalt  }
.Lfunc_end0:
.L_simem_size_0:
called_computation_lowered:
.L_overlay_start_0:
0x88: {  	s2 =	sld [smem:$0x3FD9]  }
0x89: {  	s3 =	sld [smem:$0x3FFE];
	_ =	sdelay $0x1  }
0x8a: {  	s1 =	srdreg.scid  }
0x8b: {  	s0 =	sand.u32 $0x1, s1  }
0x8c: {  	s17 =	sshll.u32 s0, $0xA;
	s2 =	sadd.s32 s3, s2  }
0x8d: {  	s2 =	sadd.s32 s2, s17  }
0x8e: {  	[smem:$0x3FC6] =	sst s2  }
0x8f: {  	_ = 	snop  }
0x90: {  	s2 =	sld [smem:$0x3FC8]  }
0x91: {  	s18 =	sld [smem:$0x3FD0];
	(tm) =	ssettm $0x1  }
0x92: {  	s4 =	sld [smem:$0x3FFB];
	_ =	sdelay $0x3  }
0x93: {  	_ =	strace s4  }
0x94: {  	s4 =	sld [smem:$0x3FFC];
	_ =	sdelay $0x3  }
0x95: {  	_ =	strace s4  }
0x96: {  	s4 =	sld [smem:$0x3FFD];
	_ =	sdelay $0x3  }
0x97: {  	_ =	strace s4  }
0x98: {  	_ =	strace $0x8FFFFFFF  }
0x99: {  	s19 =	sld [smem:$0x3FDB];
	_ =	sdelay $0x1  }
0x9a: {  	s5 =	simm.s32 $_scs_section_size  }
0x9b: {  	s6 =	simm.s32 $_size__tile_overlayer_lowered;
	s7 =	simm.s32 $_tile_overlayer_lowered  }
0x9c: {  	s22 =	simm.s32 $0x1BFF;
	s21 =	sshll.u32 s7, $0x1;
	s4 =	sadd.s32 s5, s19  }
0x9d: {  	s8 =	simm.s32 $0x0;
	s20 =	sshll.u32 s6, $0x1;
	s6 =	sadd.s32 s21, s4  }
0x9e: {  	[timem:s8], [sflag:s22] =	dma.local [hbm:s6], s20  }
0x9f: {  	_ =	swait.ge [sflag:s22], s20  }
0xa0: {  	s5 =	ssub.s32 $0x0, s20;
	[sflag:s22] =	ssyncset.done $0x0  }
0xa1: {  	[sflag:s22] =	ssyncadd.s32 s5;
	_ =	sdelay $0x1  }
0xa2: {  	s23 =	simm.s32 $0x1B8B  }
0xa3: {  	_ =	swait.ge [sflag:s23], $0x1  }
0xa4: {  	[sflag:s23] =	ssyncset.done $0x0  }
0xa5: {  	s25 =	simm.s32 $0x1B8E;
	s24 =	sld [smem:$0x3FFE];
	[sflag:s23] =	ssyncadd.s32 $0xFFFFFFFF  }
0xa6: {  	s26 =	simm.s32 $execute0_lowered;
	[smem:$0x3FD2] =	sst s25  }
0xa7: {  	s6 =	sshll.u32 s26, $0x1;
	_ =	strace $0x80000046;
	[dreg:$0x1] =	wrdreg $0xFFFFFFFF  }
0xa8: {  	s28 =	simm.s32 $_size_execute0_lowered;
	s4 =	sadd.s32 s4, s6;
	[dreg:$0x0] =	wrdreg $0x0  }
0xa9: {  	s6 =	sshll.u32 s28, $0x1;
	[dreg:$0x2] =	wrdreg s4  }
0xaa: {  	[dreg:$0x3] =	wrdreg s6  }
0xab: {  	[dreg:$0x4] =	wrdreg $0xC0  }
0xac: {  	_ =	task [dreg:s8], $0x5FFFF  }
0xad: {  	[dreg:$0x1] =	wrdreg $0xFFFFFFFF  }
0xae: {  	[dreg:$0x0] =	wrdreg $0x60  }
0xaf: {  	[dreg:$0x2] =	wrdreg s24  }
0xb0: {  	[dreg:$0x3] =	wrdreg s2  }
0xb1: {  	[dreg:$0x4] =	wrdreg s18  }
0xb2: {  	[dreg:$0x5] =	wrdreg $0x9  }
0xb3: {  	_ =	task.clear_ibuf [dreg:s8], $0x6FFFF;
	_ =	strace $0x90000046  }
0xb4: {  	s29 =	simm.s32 $0x9;
	_ =	strace $0x80000048  }
0xb5: {  	_ =	swait.ge [sflag:s29], $0x1  }
0xb6: {  	[sflag:s29] =	ssyncadd.s32 $0xFFFFFFFF  }
0xb7: {  	_ =	strace $0x90000048  }
0xb8: {  	_ =	sfence  }
0xb9: {  	s30 =	sld [smem:$0x0];
	_ =	sdelay $0x2  }
0xba: {  	s31 =	sshll.u32 s1, $0xD;
	s1 =	sshrl.u32 s1, $0x2  }
0xbb: {  	s3 =	sand.u32 $0x4000, s31;
	s1 =	sadd.s32 s1, s30  }
0xbc: {  	s0 =	sor.u32 s3, s0;
	s1 =	sshll.u32 s1, $0x11  }
0xbd: {  	s0 =	sor.u32 s1, s0  }
0xbe: {  	s0 =	sadd.s32 $0x8F2B, s0  }
0xbf: {  	[sflag:s0] =	ssyncadd.remote.s32 $0x1  }
0xc0: {  	_ =	sfence.sel $0xFFFF  }
0xc1: {  	[dreg:$0x0] =	wrdreg $0xFFFFFFFF;
	(pc) =	sbr.abs _section_cstart, $3  }
0xc2: {  	[dreg:$0x1] =	wrdreg $0xFFFFFFFF  }
0xc3: {  	_ =	task.clear_ibuf [dreg:s8], $0x2FFFF;
	_ =	strace $0x9FFFFFFF  }
0xc4: {  	(tm) =	ssettm $0x7FFFFFFF  }
0xc5: {  	_ =	shalt  }
tec
execute0_lowered:
.L_overlay_start_1:
0x0: {  	(tag) =	ssettag $0x1  }
0x1: {  	s7 =	rddreg [dreg:$0x0]  }
0x2: {  	s1 =	srdreg.scid;
	s2 =	rddreg [dreg:$0x1]  }
0x3: {  	s0 =	stileid.u32;
	s4 =	rddreg [dreg:$0x2];
	s5 =	simm.s32 $0x0  }
0x4: {  	s13 =	simm.s32 $0x80;
	s8 =	sand.u32 $0x1, s1;
	s28 =	sshll.u32 s0, $0x1  }
0x5: {  	s14 =	simm.s32 $0x400;
	s15 =	simm.s32 $0x1;
	s9 =	sor.u32 s8, s28  }
0x6: {  	s16 =	simm.s32 $0x4;
	s17 =	simm.s32 $0x3;
	s3 =	smul.u32 $0xD, s9  }
0x7: {  	s18 =	simm.s32 $0x2;
	s19 =	simm.s32 $0x9C80;
	s1 =	rddreg [dreg:$0x3]  }
0x8: {  	s20 =	simm.s32 $0x0;
	[smem:$0x7FF] =	sst s5;
	s6 =	sshrl.u32 s3, $0x4  }
0x9: {  	s7 =	sadd.s32 $0x400, s7;
	s10 =	sshll.u32 s3, $0x1C;
	s11 =	smul.u32 $0x138, s6  }
0xa: {  	s8 =	ssub.s32 $0x2, s8;
	s12 =	sshrl.u32 s3, $0x5;
	s10 =	sshra.s32 s10, $0x1F  }
0xb: {  	s9 =	smul.u32 $0x280, s9;
	s10 =	sand.u32 $0x1FBD, s10;
	s11 =	sadd.s32 s12, s11  }
0xc: {  	_ =	strace $0x80000047;
	s30 =	sshrl.u32 s8, $0x1;
	s10 =	sadd.s32 s10, s11  }
0xd: {  	s29 =	sshll.u32 s3, $0x7;
	s9 =	sand.u32 $0x380, s9;
	s10 =	sshll.u32 s10, $0xA  }
0xe: {  	s31 =	ssub.s32 s8, s30;
	s11 =	sand.u32 $0xF800, s29;
	s9 =	sor.u32 s9, s10  }
0xf: {  	s12 =	simm.s32 $0x5;
	s8 =	sadd.s32 s7, s11;
	s9 =	sshrl.u32 s9, $0x3  }
0x10: {  	s11 =	simm.s32 $0x13900;
	s10 =	smax.u32 s31, $0x1;
	s9 =	sadd.s32 s2, s9  }
.LBB2_1:
0x11: {  	[tilespmem:s11], [sflag:$0x5] =	stream.linear.gather [hbm4b:s8+s5], $0x4000, $0x38;
	[tilespmem:$0x1F900] =	vst v63  }
0x12: {  	_ =	swait.ge [sflag:s12], $0x4000  }
0x13: {  	p0 =	por $0x0, $0x0;
	[sflag:s12] =	ssyncset.done $0x0  }
0x14: {  	s26 =	smov.u32 s6;
	s25 =	simm.s32 $0x0;
	[sflag:s12] =	ssyncadd.s32 $0xFFFFC000  }
0x15: {  	[tilespmem:s5], [sflag:$0x1] =	stream.strided.gather [hbm4b:s9+s13], $0x9C80, s14, s13, $0x38;
	[tilespmem:$0x1F900] =	vst v63  }
.LBB2_2:
0x16: {  	p1 =	seq.s32 s25, $0xC  }
.Ltmp0:
0x17: {  	_ = 	snop;
	(pc) =	sbr.rel @p1 .LBB2_7-.Ltmp0, $2  }
0x18: {  	_ =	sdelay $0x2  }
0x19: {  	s24 =	sadd.s32 s3, s25;
	s23 =	sand.u32 $0x1, s25;
	s21 =	sadd.s32 $0x1, s25  }
0x1a: {  	s28 =	sand.u32 $0x1, s21  }
0x1b: {  	p1 =	seq.s32 s28, $0x0  }
.Ltmp1:
0x1c: {  	_ = 	snop;
	(pc) =	sbr.rel @p1 .LBB2_5-.Ltmp1, $4  }
0x1d: {  	_ = 	snop  }
0x1e: {  	s29 =	sadd.s32 $0x1, s24  }
0x1f: {  	s22 =	sand.u32 $0x8, s29;
	s30 =	sshrl.u32 s29, $0x4  }
0x20: {  	s28 =	sshrl.u32 s29, $0x5;
	s29 =	sshll.u32 s29, $0x7;
	s30 =	smul.u32 $0x138, s30  }
.Ltmp2:
0x21: {  	(pc) =	sbr.rel .LBB2_6-.Ltmp2, $2  }
0x22: {  	_ =	sdelay $0x2  }
0x23: {  	s29 =	sand.u32 $0x380, s29;
	s28 =	sadd.s32 s28, s30  }
.LBB2_5:
0x24: {  	p1 =	seq.s32 s22, $0x0;
	s31 =	simm.s32 $0x0  }
0x25: {  	s31 =	simm.s32 @!p1 $0x1FBD;
	s28 =	sadd.s32 s28, s30  }
0x26: {  	p1 =	sne.s32 s23, $0x0;
	s30 =	sadd.s32 s31, s28  }
.Ltmp3:
0x27: {  	s29 =	sand.u32 $0x380, s29;
	s30 =	sshll.u32 s30, $0xA;
	(pc) =	sbr.rel @p1 .LBB2_7-.Ltmp3, $4  }
0x28: {  	s30 =	sor.u32 s29, s30  }
0x29: {  	s30 =	sshrl.u32 s30, $0x3  }
0x2a: {  	s30 =	sadd.s32 s2, s30  }
0x2b: {  	[tilespmem:s5], [sflag:$0x1] =	stream.strided.gather [hbm4b:s30+s13], $0x9C80, s14, s13, $0x38;
	[tilespmem:$0x1F900] =	vst v63  }
.LBB2_6:
0x2c: {  	p1 =	seq.s32 s22, $0x0;
	s22 =	simm.s32 $0x0  }
0x2d: {  	s22 =	simm.s32 @!p1 $0x1FBD  }
0x2e: {  	s22 =	sadd.s32 s22, s28  }
0x2f: {  	s22 =	sshll.u32 s22, $0xA  }
0x30: {  	s22 =	sor.u32 s29, s22  }
0x31: {  	s22 =	sshrl.u32 s22, $0x3  }
0x32: {  	s22 =	sadd.s32 s2, s22  }
0x33: {  	[tilespmem:s19], [sflag:$0x2] =	stream.strided.gather [hbm4b:s22+s13], $0x9C80, s14, s13, $0x38;
	[tilespmem:$0x1F900] =	vst v63  }
.LBB2_7:
0x34: {  	s22 =	sshrl.u32 s24, $0x4  }
0x35: {  	p2 =	seq.s32 s22, s26  }
0x36: {  	s26 =	sshll.u32 @!p2 s22, $0xB  }
0x37: {  	p1 =	sne.s32 s23, $0x0;
	s26 =	sand.u32 @!p2 $0x1FFFF800, s26  }
0x38: {  	s28 =	simm.s32 @!p2 $0x0;
	s29 =	simm.s32 @!p2 $0x13900;
	s26 =	sadd.s32 @!p2 s7, s26  }
0x39: {  	[tilespmem:s29], [sflag:$0x5] =	stream.linear.gather @!p2 [hbm4b:s26+s28], $0x4000, $0x38;
	[tilespmem:$0x1F900] =	vst v63  }
.Ltmp4:
0x3a: {  	_ = 	snop;
	(pc) =	sbr.rel @p1 .LBB2_9-.Ltmp4, $4  }
0x3b: {  	s26 =	simm.s32 @!p2 $0x5  }
0x3c: {  	_ =	swait.ge @!p2 [sflag:s26], $0x4000  }
0x3d: {  	[sflag:s26] =	ssyncset.done @!p2 $0x0  }
0x3e: {  	[sflag:s26] =	ssyncadd.s32 @!p2 $0xFFFFC000  }
0x3f: {  	p2 =	sgt.u32 s25, $0x1  }
.Ltmp5:
0x40: {  	_ = 	snop;
	(pc) =	sbr.rel @p2 .LBB2_10-.Ltmp5, $4  }
.Ltmp6:
0x41: {  	_ = 	snop;
	(pc) =	sbr.rel @!p2 .LBB2_11-.Ltmp6, $4  }
0x42: {  	_ =	swait.ge [sflag:s15], $0x9C80  }
0x43: {  	[sflag:s15] =	ssyncset.done $0x0  }
0x44: {  	s25 =	simm.s32 $0x3;
	[sflag:s15] =	ssyncadd.s32 $0xFFFF6380  }
0x45: {  	_ = 	snop  }
.LBB2_9:
0x46: {  	p2 =	slt.u32 s25, $0x2  }
.Ltmp7:
0x47: {  	_ = 	snop;
	(pc) =	sbr.rel @p2 .LBB2_11-.Ltmp7, $4  }
0x48: {  	_ = 	snop  }
0x49: {  	_ =	swait.ge [sflag:s18], $0x9C80  }
0x4a: {  	[sflag:s18] =	ssyncset.done $0x0  }
0x4b: {  	s25 =	simm.s32 $0x4;
	[sflag:s18] =	ssyncadd.s32 $0xFFFF6380  }
.LBB2_10:
0x4c: {  	_ =	swait.ge [sflag:s25], $0x4000  }
0x4d: {  	[sflag:s25] =	ssyncset.done $0x0  }
0x4e: {  	[sflag:s25] =	ssyncadd.s32 $0xFFFFC000  }
.LBB2_11:
0x4f: {  	s25 =	simm.s32 $0x13980  }
0x50: {  	v1 =	vld [tilespmem:s25+$0x70]  }
0x51: {  	v2 =	vld [tilespmem:s25+$0xFFFFFF90]  }
0x52: {  	v3 =	vld [tilespmem:s25+$0xFFFFFFA0]  }
0x53: {  	v4 =	vld [tilespmem:s25+$0xFFFFFFB0]  }
0x54: {  	v5 =	vld [tilespmem:s25+$0xFFFFFFC0]  }
0x55: {  	v6 =	vld [tilespmem:s25+$0xFFFFFFD0]  }
0x56: {  	v7 =	vld [tilespmem:s25+$0xFFFFFFE0]  }
0x57: {  	v8 =	vld [tilespmem:s25+$0xFFFFFFF0]  }
0x58: {  	s26 =	sshll.u32 s22, $0x6;
	v9 =	vld [tilespmem:s25+$0x0]  }
0x59: {  	s26 =	sand.u32 $0x40, s26;
	v10 =	vld [tilespmem:s25+$0x10]  }
0x5a: {  	v11 =	vld [tilespmem:s25+$0x20];
	v0 =	vmov s26  }
0x5b: {  	v12 =	vld [tilespmem:s25+$0x30];
	v1 =	vadd.s32 v0, v1  }
0x5c: {  	v13 =	vld [tilespmem:s25+$0x40];
	v2 =	vadd.s32 v0, v2  }
0x5d: {  	s23 =	smul.u32 $0x27200, s23;
	v14 =	vld [tilespmem:s25+$0x50];
	v3 =	vadd.s32 v0, v3  }
0x5e: {  	v15 =	vld [tilespmem:s25+$0x60];
	v4 =	vadd.s32 v0, v4  }
0x5f: {  	v16 =	vld [tilespmem:s25+$0xFFFFFF80];
	s23 =	sshrl.u32 s23, $0x2;
	v5 =	vadd.s32 v0, v5  }
0x60: {  	v6 =	vadd.s32 v0, v6;
	v1 =	vld.idx.msk [tilespmem:v1+s23+$0x0], $0xffff  }
0x61: {  	v10 =	vadd.s32 v0, v10;
	v2 =	vld.idx.msk [tilespmem:v2+s23+$0x0], $0xffff  }
0x62: {  	s25 =	simm.s32 $0x1;
	v7 =	vadd.s32 v0, v7;
	v3 =	vld.idx.msk [tilespmem:v3+s23+$0x0], $0xffff  }
0x63: {  	s25 =	simm.s32 @!p0 $0x0;
	v8 =	vadd.s32 v0, v8;
	v4 =	vld.idx.msk [tilespmem:v4+s23+$0x0], $0xffff  }
0x64: {  	s25 =	sshll.u32 s25, $0xE;
	v9 =	vadd.s32 v0, v9;
	v5 =	vld.idx.msk [tilespmem:v5+s23+$0x0], $0xffff  }
0x65: {  	s25 =	sadd.s32 $0x17980, s25;
	v16 =	vadd.s32 v0, v16;
	v6 =	vld.idx.msk [tilespmem:v6+s23+$0x0], $0xffff  }
0x66: {  	v11 =	vadd.s32 v0, v11;
	v10 =	vld.idx.msk [tilespmem:v10+s23+$0x0], $0xffff;
	[tilespmem:s25+$0x70] =	vst v1  }
0x67: {  	v1 =	vld.idx.msk [tilespmem:v7+s23+$0x0], $0xffff;
	v7 =	vadd.s32 v0, v12;
	[tilespmem:s25+$0xFFFFFF90] =	vst v2  }
0x68: {  	v2 =	vld.idx.msk [tilespmem:v8+s23+$0x0], $0xffff;
	v8 =	vadd.s32 v0, v13;
	[tilespmem:s25+$0xFFFFFFA0] =	vst v3  }
0x69: {  	v62 =	vadd.s32 v0, v14;
	v3 =	vld.idx.msk [tilespmem:v9+s23+$0x0], $0xffff;
	[tilespmem:s25+$0xFFFFFFB0] =	vst v4  }
0x6a: {  	v63 =	vadd.s32 v0, v15;
	v4 =	vld.idx.msk [tilespmem:v16+s23+$0x0], $0xffff;
	[tilespmem:s25+$0xFFFFFFC0] =	vst v5  }
0x6b: {  	[tilespmem:s25+$0xFFFFFFD0] =	vst v6;
	v6 =	vld.idx.msk [tilespmem:v11+s23+$0x0], $0xffff  }
0x6c: {  	[tilespmem:s25+$0x10] =	vst v10;
	v5 =	vld.idx.msk [tilespmem:v7+s23+$0x0], $0xffff  }
0x6d: {  	[tilespmem:s25+$0xFFFFFFF0] =	vst v2;
	v2 =	vld.idx.msk [tilespmem:v8+s23+$0x0], $0xffff  }
0x6e: {  	[tilespmem:s25+$0xFFFFFFE0] =	vst v1;
	v1 =	vld.idx.msk [tilespmem:v62+s23+$0x0], $0xffff  }
0x6f: {  	s24 =	sand.u32 $0xF, s24;
	s28 =	simm.s32 $0x13A80;
	s26 =	simm.s32 $0x0;
	[tilespmem:s25+$0x0] =	vst v3;
	v3 =	vld.idx.msk [tilespmem:v63+s23+$0x0], $0xffff  }
.LBB2_12:
0x70: {  	v7 =	vld [tilespmem:s28+$0x70];
	s26 =	sadd.s32 $0x10, s26;
	[tilespmem:s25+$0xFFFFFF80] =	vst v4  }
0x71: {  	v4 =	vld [tilespmem:s28+$0xFFFFFF90];
	p2 =	slt.u32 s26, $0x3F0;
	[tilespmem:s25+$0x20] =	vst v6  }
0x72: {  	v6 =	vld [tilespmem:s28+$0xFFFFFFA0];
	[tilespmem:s25+$0x30] =	vst v5  }
0x73: {  	v5 =	vld [tilespmem:s28+$0xFFFFFFB0];
	[tilespmem:s25+$0x40] =	vst v2  }
0x74: {  	v2 =	vld [tilespmem:s28+$0xFFFFFFC0];
	[tilespmem:s25+$0x50] =	vst v1  }
0x75: {  	v1 =	vld [tilespmem:s28+$0xFFFFFFD0];
	v7 =	vadd.s32 v0, v7;
	[tilespmem:s25+$0x60] =	vst v3  }
0x76: {  	v3 =	vadd.s32 v0, v4;
	v4 =	vld [tilespmem:s28+$0xFFFFFFE0]  }
0x77: {  	v6 =	vadd.s32 v0, v6;
	v8 =	vld [tilespmem:s28+$0xFFFFFFF0]  }
0x78: {  	v5 =	vadd.s32 v0, v5;
	v9 =	vld [tilespmem:s28+$0x0]  }
0x79: {  	v2 =	vadd.s32 v0, v2;
	v10 =	vld [tilespmem:s28+$0x10]  }
0x7a: {  	v1 =	vadd.s32 v0, v1;
	v7 =	vld.idx.msk [tilespmem:v7+s23+$0x0], $0xffff  }
0x7b: {  	v4 =	vadd.s32 v0, v4;
	v11 =	vld [tilespmem:s28+$0x20]  }
0x7c: {  	v8 =	vadd.s32 v0, v8;
	v12 =	vld [tilespmem:s28+$0x30]  }
0x7d: {  	v9 =	vadd.s32 v0, v9;
	v13 =	vld [tilespmem:s28+$0x40]  }
0x7e: {  	v10 =	vadd.s32 v0, v10;
	v14 =	vld [tilespmem:s28+$0x50]  }
0x7f: {  	s25 =	sadd.s32 $0x100, s25;
	v15 =	vld [tilespmem:s28+$0x60]  }
0x80: {  	v16 =	vld [tilespmem:s28+$0xFFFFFF80];
	v11 =	vadd.s32 v0, v11;
	[tilespmem:s25+$0x70] =	vst v7  }
0x81: {  	v3 =	vld.idx.msk [tilespmem:v3+s23+$0x0], $0xffff;
	v7 =	vadd.s32 v0, v12  }
0x82: {  	v6 =	vld.idx.msk [tilespmem:v6+s23+$0x0], $0xffff;
	v12 =	vadd.s32 v0, v13  }
0x83: {  	v5 =	vld.idx.msk [tilespmem:v5+s23+$0x0], $0xffff;
	v13 =	vadd.s32 v0, v14  }
0x84: {  	v2 =	vld.idx.msk [tilespmem:v2+s23+$0x0], $0xffff;
	v14 =	vadd.s32 v0, v15  }
0x85: {  	v15 =	vadd.s32 v0, v16;
	v1 =	vld.idx.msk [tilespmem:v1+s23+$0x0], $0xffff  }
0x86: {  	v16 =	vld.idx.msk [tilespmem:v4+s23+$0x0], $0xffff  }
0x87: {  	[tilespmem:s25+$0xFFFFFF90] =	vst v3;
	v3 =	vld.idx.msk [tilespmem:v8+s23+$0x0], $0xffff  }
0x88: {  	[tilespmem:s25+$0xFFFFFFA0] =	vst v6;
	v8 =	vld.idx.msk [tilespmem:v9+s23+$0x0], $0xffff  }
0x89: {  	[tilespmem:s25+$0xFFFFFFB0] =	vst v5;
	v9 =	vld.idx.msk [tilespmem:v10+s23+$0x0], $0xffff  }
0x8a: {  	v4 =	vld.idx.msk [tilespmem:v15+s23+$0x0], $0xffff;
	[tilespmem:s25+$0xFFFFFFC0] =	vst v2  }
.Ltmp8:
0x8b: {  	[tilespmem:s25+$0xFFFFFFD0] =	vst v1;
	v6 =	vld.idx.msk [tilespmem:v11+s23+$0x0], $0xffff;
	(pc) =	sbr.rel @p2 .LBB2_12-.Ltmp8, $4  }
0x8c: {  	[tilespmem:s25+$0xFFFFFFE0] =	vst v16;
	v5 =	vld.idx.msk [tilespmem:v7+s23+$0x0], $0xffff  }
0x8d: {  	[tilespmem:s25+$0xFFFFFFF0] =	vst v3;
	v2 =	vld.idx.msk [tilespmem:v12+s23+$0x0], $0xffff  }
0x8e: {  	[tilespmem:s25+$0x0] =	vst v8;
	v1 =	vld.idx.msk [tilespmem:v13+s23+$0x0], $0xffff  }
0x8f: {  	s28 =	sadd.s32 $0x100, s28;
	[tilespmem:s25+$0x10] =	vst v9;
	v3 =	vld.idx.msk [tilespmem:v14+s23+$0x0], $0xffff  }
0x90: {  	[tilespmem:s25+$0xFFFFFF80] =	vst v4  }
0x91: {  	[tilespmem:s25+$0x20] =	vst v6  }
0x92: {  	s23 =	sshll.u32 s22, $0xF;
	s26 =	sshll.u32 s24, $0xB;
	[tilespmem:s25+$0x30] =	vst v5  }
0x93: {  	s31 =	sshll.u32 s24, $0x4;
	s26 =	sand.u32 $0x4000, s26;
	s23 =	sadd.s32 s4, s23;
	[tilespmem:s25+$0x40] =	vst v2  }
0x94: {  	s24 =	sand.u32 $0x70, s31;
	s23 =	sadd.s32 s26, s23;
	s26 =	simm.s32 @p1 $0x1B900;
	[tilespmem:s25+$0x50] =	vst v1  }
0x95: {  	s23 =	sadd.s32 s24, s23;
	s24 =	simm.s32 @p1 $0x80;
	[tilespmem:s25+$0x60] =	vst v3;
	s25 =	simm.s32 @p1 $0x400  }
0x96: {  	[hbm4b:s23+s24] =	stream.strided.scatter @p1 [tilespmem:s26], [sflag:$0x4], $0x4000, s25, s24, $0x38;
	[tilespmem:$0x1F900] =	vst v63  }
0x97: {  	s24 =	simm.s32 @!p1 $0x80;
	s25 =	simm.s32 @!p1 $0x400;
	s26 =	simm.s32 @!p1 $0x17900  }
0x98: {  	[hbm4b:s23+s24] =	stream.strided.scatter @!p1 [tilespmem:s26], [sflag:$0x3], $0x4000, s25, s24, $0x38;
	[tilespmem:$0x1F900] =	vst v63  }
0x99: {  	p1 =	sne.s32 s21, $0xD  }
.Ltmp9:
0x9a: {  	_ = 	snop;
	(pc) =	sbr.rel @p1 .LBB2_2-.Ltmp9, $2  }
0x9b: {  	_ =	sdelay $0x2  }
0x9c: {  	p0 =	por !p0, !p0;
	s26 =	smov.u32 s22;
	s25 =	smov.u32 s21  }
0x9d: {  	s20 =	sadd.s32 $0x1, s20  }
0x9e: {  	_ =	swait.ge [sflag:s16], $0x4000;
	p0 =	sne.s32 s20, s10  }
.Ltmp10:
0x9f: {  	[sflag:s16] =	ssyncset.done $0x0;
	(pc) =	sbr.rel @p0 .LBB2_1-.Ltmp10, $4  }
0xa0: {  	[sflag:s16] =	ssyncadd.s32 $0xFFFFC000  }
0xa1: {  	_ =	swait.ge [sflag:s17], $0x4000  }
0xa2: {  	[sflag:s17] =	ssyncset.done $0x0  }
0xa3: {  	[sflag:s17] =	ssyncadd.s32 $0xFFFFC000  }
0xa4: {  	_ =	sfence.sel $0x180000  }
0xa5: {  	[bflag:$0x0] =	sbarrier.arrive $0xFFFF  }
0xa6: {  	p0 =	sne.s32 s0, $0x0;
	_ =	strace $0x90000047  }
0xa7: {  	s0 =	sadd.s32 @!p0 $0x100000, s1;
	[bflag:$0x2] =	sbarrier.arrive $0xFFFF  }
0xa8: {  	[sflag:s0] =	ssyncadd.tile.s32 @!p0 $0x1;
	_ =	shalt  }
.Lfunc_end2:
_tile_overlayer_lowered:
.L_overlay_start_2:
0xa9: {  	(tag) =	ssettag $0x2  }
0xaa: {  	s0 =	rddreg [dreg:$0x0];
	s2 =	stileid.u32  }
0xab: {  	s1 =	rddreg [dreg:$0x1];
	p0 =	sne.s32 s2, $0x0  }
0xac: {  	s3 =	rddreg [dreg:$0x2];
	[bflag:$0x3] =	sbarrier.arrive $0xFFFF;
	s2 =	simm.s32 @!p0 $0x1C05  }
0xad: {  	[timem:s3], [sflag:s2] =	dma.local @!p0 [hbm:s0], s1  }
0xae: {  	s0 =	simm.s32 @!p0 $0x5  }
0xaf: {  	_ =	swait.ge @!p0 [sflag:s0], s1  }
0xb0: {  	s1 =	ssub.s32 @!p0 $0x0, s1;
	[sflag:s0] =	ssyncset.done @!p0 $0x0  }
0xb1: {  	[sflag:s0] =	ssyncadd.s32 @!p0 s1  }
0xb2: {  	[bflag:$0x3] =	sbarrier.arrive $0xFFFF  }
0xb3: {  	_ =	shalt  }

</sc_bundles>
